<compile_context>
chip_gen: v7x
topology: tpu7x:2x2x1
jax: 0.10.2.dev20260603
libtpu: 0.0.44.dev20260713+nightly
codegen_flags: <defaults>
</compile_context>

<pallas_src>
import functools

import jax
import jax.numpy as jnp
from jax import lax
from jax.experimental import pallas as pl
from jax.experimental.pallas import tpu as pltpu
from jax.experimental.pallas import tpu_sc as plsc

B = 512
D = 128
L = 16
NC = 2
NS = 16
NW = NC * NS
RW = B // NW
CH = B // L
PROWS = 8
KPOS = 3
KNEG = 5
MARGIN = 1.0
BOUNDARY = 5.0
EPS_POS = 1e-07

_MESH = plsc.VectorSubcoreMesh(core_axis_name="c", subcore_axis_name="s",
                               num_cores=NC, num_subcores=NS)


def _iota16():
    return lax.broadcasted_iota(jnp.int32, (L,), 0)


def _splat_max(v):
    m = plsc.cummax(v)
    m = lax.rev(m, (0,))
    return plsc.cummax(m)


def _splat_at(v, selj, lowest):
    return _splat_max(jnp.where(selj, v, lowest))


def _prep_kernel(x_ref, tcol_ref, trow_ref, dtm_ref, pos_ref):
    x = x_ref[...]
    tcol = tcol_ref[...]
    trow = trow_ref[...]
    dot = lax.dot_general(x, x, (((1,), (1,)), ((), ())),
                          preferred_element_type=jnp.float32)
    rows = lax.broadcasted_iota(jnp.int32, (B, B), 0)
    cols = lax.broadcasted_iota(jnp.int32, (B, B), 1)
    eye = rows == cols
    diag_m = jnp.where(eye, dot, 0.0)
    sq_col = jnp.sum(diag_m, axis=1, keepdims=True)
    sq_row = jnp.sum(diag_m, axis=0, keepdims=True)

    same = tcol == trow
    inf = jnp.float32(jnp.inf)
    neg_inf = jnp.float32(-jnp.inf)

    dt = sq_col - 2.0 * dot + sq_row
    dt = jnp.maximum(dt, 0.0)
    distt = jnp.where(dt == 0.0, 0.0, jnp.sqrt(dt))
    dtm_ref[...] = jnp.where(same, inf, distt)

    counts = jnp.sum(same.astype(jnp.float32), axis=1, keepdims=True)
    anchors = (counts < BOUNDARY).astype(jnp.float32)

    pmask = same & ~eye
    pmaskf = pmask.astype(jnp.float32)
    nvals = jnp.sum(pmaskf, axis=1, keepdims=True)
    pmax = jnp.max(jnp.where(pmask, distt, neg_inf), axis=1, keepdims=True)
    pmin = jnp.min(jnp.where(pmask, distt, inf), axis=1, keepdims=True)
    psum = jnp.sum(jnp.where(pmask, distt, 0.0), axis=1, keepdims=True)
    p0 = pmax
    p1 = jnp.where(nvals >= 3.0, psum - pmax - pmin, neg_inf)
    p2 = jnp.where(nvals >= 2.0, pmin, neg_inf)
    prow = [p0, p1, p2]

    def to_row(v_col):
        return jnp.sum(jnp.where(eye, v_col + jnp.zeros((B, B), jnp.float32),
                                 0.0), axis=0, keepdims=True)

    zero_rows = jnp.zeros((PROWS - KPOS - 1, B), jnp.float32)
    pos_ref[...] = jnp.concatenate(
        [to_row(p) + MARGIN for p in prow] + [to_row(anchors), zero_rows],
        axis=0)


def _col_kernel(dtm_hbm, th_hbm, colblk, stage):
    wid = lax.axis_index("s") * NC + lax.axis_index("c")
    base = wid * RW
    pltpu.sync_copy(dtm_hbm.at[pl.ds(base, RW)], colblk)

    inf = jnp.float32(jnp.inf)
    neg_inf = jnp.float32(-jnp.inf)

    def per_col(j, th_all):
        a1 = jnp.full((L,), inf)
        a2 = jnp.full((L,), inf)
        a3 = jnp.full((L,), inf)
        a4 = jnp.full((L,), inf)
        a5 = jnp.full((L,), inf)
        for c in range(CH):
            new = colblk[j, pl.ds(c * L, L)]
            lo = jnp.minimum(a1, new); new = jnp.maximum(a1, new); a1 = lo
            lo = jnp.minimum(a2, new); new = jnp.maximum(a2, new); a2 = lo
            lo = jnp.minimum(a3, new); new = jnp.maximum(a3, new); a3 = lo
            lo = jnp.minimum(a4, new); new = jnp.maximum(a4, new); a4 = lo
            a5 = jnp.minimum(a5, new)
        r, _ = plsc.sort_key_val(a1, a1)
        for ai in (a2, a3, a4, a5):
            s, _ = plsc.sort_key_val(ai, ai)
            r = jnp.minimum(r, lax.rev(s, (0,)))
            r, _ = plsc.sort_key_val(r, r)
        th = _splat_at(r, _iota16() == (KNEG - 1), neg_inf)
        return jnp.where(_iota16() == j, th, th_all)

    th_all = lax.fori_loop(0, RW, per_col, jnp.full((L,), inf))
    stage[...] = th_all
    pltpu.sync_copy(stage, th_hbm.at[wid])


def _final_kernel(dtm_ref, pos_ref, th_ref, out_ref):
    dtm = dtm_ref[...]
    th = th_ref[...]
    anch = pos_ref[pl.ds(KPOS, 1), :]
    inf = jnp.float32(jnp.inf)
    m2 = (dtm <= th) & (dtm < inf) & (anch > 0.5)
    wf = m2.astype(jnp.float32)
    s_total = jnp.float32(0.0)
    n_total = jnp.float32(0.0)
    for k in range(KPOS):
        pk = pos_ref[pl.ds(k, 1), :]
        tr = jnp.maximum(jnp.where(pk > -inf, pk, 0.0) - dtm, 0.0)
        wk = wf * jnp.where(pk > -inf, 1.0, 0.0)
        s_total = s_total + jnp.sum(wk * tr)
        n_total = n_total + jnp.sum(wk * (tr > EPS_POS).astype(jnp.float32))
    out_ref[...] = (s_total / (n_total + EPS_POS)).reshape(1, 1)


_col_phase = functools.partial(
    pl.kernel,
    out_type=jax.ShapeDtypeStruct((NW, L), jnp.float32),
    mesh=_MESH,
    compiler_params=pltpu.CompilerParams(needs_layout_passes=False),
    scratch_types=[
        pltpu.VMEM((RW, B), jnp.float32),
        pltpu.VMEM((L,), jnp.float32),
    ],
)(_col_kernel)


def kernel(input, target):
    tcol = target.reshape(B, 1)
    trow = target.reshape(1, B)
    dtm, pos = pl.pallas_call(
        _prep_kernel,
        out_shape=(jax.ShapeDtypeStruct((B, B), jnp.float32),
                   jax.ShapeDtypeStruct((PROWS, B), jnp.float32)),
    )(input, tcol, trow)
    th = _col_phase(dtm)
    out = pl.pallas_call(
        _final_kernel,
        out_shape=jax.ShapeDtypeStruct((1, 1), jnp.float32),
    )(dtm, pos, th.reshape(B, 1))
    return out.reshape(())

# --- scband reference (transcript-rebuilt; emitter-appended) ---
"""Pipeline reference for scband-crinstance-loss-60189671686818 (READ-ONLY COPY).

The authoritative reference and input builder live on the scoring server;
editing this copy changes nothing except your own understanding.
"""

import jax, jax.numpy as jnp
import numpy as np

NCLASS = 100
K = 5
MARGIN = 1.0
P = 1.0 / NCLASS


def setup_inputs(seed: int = 0) -> dict:
    key = jax.random.key(seed)
    x = jax.random.normal(key, (512, 128), dtype=jnp.float32)
    target = jax.random.randint(jax.random.fold_in(key, 1), (512,), 0, NCLASS, dtype=jnp.int32)
    return {"input": x, "target": target}


def _pairwise_distances(embeddings):
    dot = embeddings @ embeddings.T
    sq = jnp.diag(dot)
    d = sq[None, :] - 2.0 * dot + sq[:, None]
    d = jnp.maximum(d, 0.0)
    mask = (d == 0.0).astype(embeddings.dtype)
    d = d + mask * 1e-16
    d = (1.0 - mask) * jnp.sqrt(d)
    return d


def _forward(x, target):
    B = x.shape[0]
    dist = _pairwise_distances(x)
    same = target[None, :] == target[:, None]
    col_idx = jnp.arange(B)[:, None]
    # top-k hard positives: largest distances among same-class, per column (dim 0)
    vp = jnp.where(same, dist, -jnp.inf)
    _, ip = jax.lax.top_k(vp.T, K)  # ip[i, j] = row index for column i
    mp = jnp.zeros((B, B), dtype=bool).at[ip, col_idx].set(True)
    mp = mp & same
    # top-k hard negatives: smallest distances among diff-class, per column (dim 0)
    vn = jnp.where(same, jnp.inf, dist)
    _, inn = jax.lax.top_k((-vn).T, K)
    mn = jnp.zeros((B, B), dtype=bool).at[inn, col_idx].set(True)
    mn = mn & (~same)
    # minor-class anchors
    boundary = int(P * B)
    counts = jnp.bincount(target, length=NCLASS)
    anchors = counts[target] < boundary
    mask_ap = anchors[:, None] & mp
    mask_ap = (~jnp.eye(B, dtype=bool)) & mask_ap
    mask_an = anchors[:, None] & mn
    # triplet loss over [B, B, B]
    t = dist[:, :, None] - dist[:, None, :] + MARGIN
    m = mask_ap[:, :, None] & mask_an[:, None, :]
    t = m.astype(t.dtype) * t
    t = jnp.maximum(t, 0.0)
    num_pos = (t > 1e-07).sum().astype(t.dtype)
    return t.sum() / (num_pos + 1e-07)


def reference(input, target):
    return _forward(input, target)

if __name__ == "__main__":
    import jax
    _d = setup_inputs()
    print(jax.jit(kernel)(*tuple(_d.values())))

</pallas_src>

<mosaic_0001>
#map = affine_map<(d0, d1) -> (0, 0)>
module attributes {stable_mosaic.version = 14 : i64} {
  func.func @_col_kernel(%arg0: i32, %arg1: i32, %arg2: memref<512x512xf32, #tpu.memory_space<hbm>>, %arg3: memref<32x16xf32, #tpu.memory_space<hbm>>, %arg4: memref<16x512xf32, #tpu.memory_space<vmem>>, %arg5: memref<16xf32, #tpu.memory_space<vmem>>) attributes {dimension_semantics = [#tpu.dimension_semantics<core_parallel>, #tpu.dimension_semantics<subcore_parallel>], iteration_bounds = array<i64: 2, 16>, scalar_prefetch = 0 : i64, scratch_operands = 2 : i64, tpu.core_type = #tpu.core_type<sc_vector_subcore>, window_params = [{transform_indices = #map}, {transform_indices = #map}]} {
    %mul3A = arith.constant 2 : i32
    %mul3A_0 = arith.muli %arg1, %mul3A : i32
    %add3A = arith.addi %mul3A_0, %arg0 : i32
    %mul3A_1 = arith.constant 16 : i32
    %mul3A_2 = arith.muli %add3A, %mul3A_1 : i32
    "tpu.region"() ({
      %run_scoped3A = tpu.sem_alloc : memref<!tpu.dma_semaphore, #tpu.memory_space<semaphore_mem>>
      %dma_start3A = arith.constant 0 : i32
      %dma_start3A_12 = tpu.memref_slice %arg2[%mul3A_2, %dma_start3A] : memref<512x512xf32, #tpu.memory_space<hbm>> -> memref<16x512xf32, #tpu.memory_space<hbm>>
      %dma_start3A_13 = arith.constant 0 : i32
      %dma_start3A_14 = tpu.memref_slice %arg2[%mul3A_2, %dma_start3A_13] : memref<512x512xf32, #tpu.memory_space<hbm>> -> memref<16x512xf32, #tpu.memory_space<hbm>>
      tpu.enqueue_dma source(%dma_start3A_14 : memref<16x512xf32, #tpu.memory_space<hbm>>) target(%arg4 : memref<16x512xf32, #tpu.memory_space<vmem>>) target_semaphore(%run_scoped3A : memref<!tpu.dma_semaphore, #tpu.memory_space<semaphore_mem>>)
      %dma_wait3A = arith.constant 0 : i32
      %dma_wait3A_15 = tpu.memref_slice %arg2[%mul3A_2, %dma_wait3A] : memref<512x512xf32, #tpu.memory_space<hbm>> -> memref<16x512xf32, #tpu.memory_space<hbm>>
      %dma_wait3A_16 = arith.constant 0 : i32
      %dma_wait3A_17 = tpu.memref_slice %arg2[%mul3A_2, %dma_wait3A_16] : memref<512x512xf32, #tpu.memory_space<hbm>> -> memref<16x512xf32, #tpu.memory_space<hbm>>
      tpu.wait_dma2 semaphore(%run_scoped3A : memref<!tpu.dma_semaphore, #tpu.memory_space<semaphore_mem>>) src(%dma_wait3A_17 : memref<16x512xf32, #tpu.memory_space<hbm>>) dst(%arg4 : memref<16x512xf32, #tpu.memory_space<vmem>>)
      tpu.yield
    }) : () -> ()
    %broadcast_in_dim3A = arith.constant 0x7F800000 : f32
    %broadcast_in_dim3A_3 = vector.broadcast %broadcast_in_dim3A : f32 to vector<16xf32>
    %scan3A = arith.constant 0x7F800000 : f32
    %scan3A_4 = arith.constant 0xFF800000 : f32
    %scan3A_5 = arith.constant 0 : i32
    %scan3A_6 = arith.constant 16 : i32
    %scan3A_7 = arith.addi %scan3A_5, %scan3A_6 : i32
    %scan3A_8 = arith.constant 1 : i32
    %scan3A_9 = scf.for %scan3A_12 = %scan3A_5 to %scan3A_7 step %scan3A_8 iter_args(%scan3A_13 = %broadcast_in_dim3A_3) -> (vector<16xf32>)  : i32 {
      %broadcast_in_dim3A_14 = vector.broadcast %scan3A : f32 to vector<16xf32>
      %broadcast_in_dim3A_15 = vector.broadcast %scan3A : f32 to vector<16xf32>
      %broadcast_in_dim3A_16 = vector.broadcast %scan3A : f32 to vector<16xf32>
      %broadcast_in_dim3A_17 = vector.broadcast %scan3A : f32 to vector<16xf32>
      %broadcast_in_dim3A_18 = vector.broadcast %scan3A : f32 to vector<16xf32>
      %get3A = arith.index_cast %scan3A_12 : i32 to index
      %get3A_19 = arith.constant 0 : index
      %get3A_20 = tpu.vector_load %arg4[%get3A, %get3A_19] {strides = array<i32>} : memref<16x512xf32, #tpu.memory_space<vmem>>, vector<16xf32>,
      %min3A = arith.minimumf %broadcast_in_dim3A_14, %get3A_20 : vector<16xf32>
      %max3A = arith.maximumf %broadcast_in_dim3A_14, %get3A_20 : vector<16xf32>
      %min3A_21 = arith.minimumf %broadcast_in_dim3A_15, %max3A : vector<16xf32>
      %max3A_22 = arith.maximumf %broadcast_in_dim3A_15, %max3A : vector<16xf32>
      %min3A_23 = arith.minimumf %broadcast_in_dim3A_16, %max3A_22 : vector<16xf32>
      %max3A_24 = arith.maximumf %broadcast_in_dim3A_16, %max3A_22 : vector<16xf32>
      %min3A_25 = arith.minimumf %broadcast_in_dim3A_17, %max3A_24 : vector<16xf32>
      %max3A_26 = arith.maximumf %broadcast_in_dim3A_17, %max3A_24 : vector<16xf32>
      %min3A_27 = arith.minimumf %broadcast_in_dim3A_18, %max3A_26 : vector<16xf32>
      %get3A_28 = arith.index_cast %scan3A_12 : i32 to index
      %get3A_29 = arith.constant 16 : index
      %get3A_30 = tpu.vector_load %arg4[%get3A_28, %get3A_29] {strides = array<i32>} : memref<16x512xf32, #tpu.memory_space<vmem>>, vector<16xf32>,
      %min3A_31 = arith.minimumf %min3A, %get3A_30 : vector<16xf32>
      %max3A_32 = arith.maximumf %min3A, %get3A_30 : vector<16xf32>
      %min3A_33 = arith.minimumf %min3A_21, %max3A_32 : vector<16xf32>
      %max3A_34 = arith.maximumf %min3A_21, %max3A_32 : vector<16xf32>
      %min3A_35 = arith.minimumf %min3A_23, %max3A_34 : vector<16xf32>
      %max3A_36 = arith.maximumf %min3A_23, %max3A_34 : vector<16xf32>
      %min3A_37 = arith.minimumf %min3A_25, %max3A_36 : vector<16xf32>
      %max3A_38 = arith.maximumf %min3A_25, %max3A_36 : vector<16xf32>
      %min3A_39 = arith.minimumf %min3A_27, %max3A_38 : vector<16xf32>
      %get3A_40 = arith.index_cast %scan3A_12 : i32 to index
      %get3A_41 = arith.constant 32 : index
      %get3A_42 = tpu.vector_load %arg4[%get3A_40, %get3A_41] {strides = array<i32>} : memref<16x512xf32, #tpu.memory_space<vmem>>, vector<16xf32>,
      %min3A_43 = arith.minimumf %min3A_31, %get3A_42 : vector<16xf32>
      %max3A_44 = arith.maximumf %min3A_31, %get3A_42 : vector<16xf32>
      %min3A_45 = arith.minimumf %min3A_33, %max3A_44 : vector<16xf32>
      %max3A_46 = arith.maximumf %min3A_33, %max3A_44 : vector<16xf32>
      %min3A_47 = arith.minimumf %min3A_35, %max3A_46 : vector<16xf32>
      %max3A_48 = arith.maximumf %min3A_35, %max3A_46 : vector<16xf32>
      %min3A_49 = arith.minimumf %min3A_37, %max3A_48 : vector<16xf32>
      %max3A_50 = arith.maximumf %min3A_37, %max3A_48 : vector<16xf32>
      %min3A_51 = arith.minimumf %min3A_39, %max3A_50 : vector<16xf32>
      %get3A_52 = arith.index_cast %scan3A_12 : i32 to index
      %get3A_53 = arith.constant 48 : index
      %get3A_54 = tpu.vector_load %arg4[%get3A_52, %get3A_53] {strides = array<i32>} : memref<16x512xf32, #tpu.memory_space<vmem>>, vector<16xf32>,
      %min3A_55 = arith.minimumf %min3A_43, %get3A_54 : vector<16xf32>
      %max3A_56 = arith.maximumf %min3A_43, %get3A_54 : vector<16xf32>
      %min3A_57 = arith.minimumf %min3A_45, %max3A_56 : vector<16xf32>
      %max3A_58 = arith.maximumf %min3A_45, %max3A_56 : vector<16xf32>
      %min3A_59 = arith.minimumf %min3A_47, %max3A_58 : vector<16xf32>
      %max3A_60 = arith.maximumf %min3A_47, %max3A_58 : vector<16xf32>
      %min3A_61 = arith.minimumf %min3A_49, %max3A_60 : vector<16xf32>
      %max3A_62 = arith.maximumf %min3A_49, %max3A_60 : vector<16xf32>
      %min3A_63 = arith.minimumf %min3A_51, %max3A_62 : vector<16xf32>
      %get3A_64 = arith.index_cast %scan3A_12 : i32 to index
      %get3A_65 = arith.constant 64 : index
      %get3A_66 = tpu.vector_load %arg4[%get3A_64, %get3A_65] {strides = array<i32>} : memref<16x512xf32, #tpu.memory_space<vmem>>, vector<16xf32>,
      %min3A_67 = arith.minimumf %min3A_55, %get3A_66 : vector<16xf32>
      %max3A_68 = arith.maximumf %min3A_55, %get3A_66 : vector<16xf32>
      %min3A_69 = arith.minimumf %min3A_57, %max3A_68 : vector<16xf32>
      %max3A_70 = arith.maximumf %min3A_57, %max3A_68 : vector<16xf32>
      %min3A_71 = arith.minimumf %min3A_59, %max3A_70 : vector<16xf32>
      %max3A_72 = arith.maximumf %min3A_59, %max3A_70 : vector<16xf32>
      %min3A_73 = arith.minimumf %min3A_61, %max3A_72 : vector<16xf32>
      %max3A_74 = arith.maximumf %min3A_61, %max3A_72 : vector<16xf32>
      %min3A_75 = arith.minimumf %min3A_63, %max3A_74 : vector<16xf32>
      %get3A_76 = arith.index_cast %scan3A_12 : i32 to index
      %get3A_77 = arith.constant 80 : index
      %get3A_78 = tpu.vector_load %arg4[%get3A_76, %get3A_77] {strides = array<i32>} : memref<16x512xf32, #tpu.memory_space<vmem>>, vector<16xf32>,
      %min3A_79 = arith.minimumf %min3A_67, %get3A_78 : vector<16xf32>
      %max3A_80 = arith.maximumf %min3A_67, %get3A_78 : vector<16xf32>
      %min3A_81 = arith.minimumf %min3A_69, %max3A_80 : vector<16xf32>
      %max3A_82 = arith.maximumf %min3A_69, %max3A_80 : vector<16xf32>
      %min3A_83 = arith.minimumf %min3A_71, %max3A_82 : vector<16xf32>
      %max3A_84 = arith.maximumf %min3A_71, %max3A_82 : vector<16xf32>
      %min3A_85 = arith.minimumf %min3A_73, %max3A_84 : vector<16xf32>
      %max3A_86 = arith.maximumf %min3A_73, %max3A_84 : vector<16xf32>
      %min3A_87 = arith.minimumf %min3A_75, %max3A_86 : vector<16xf32>
      %get3A_88 = arith.index_cast %scan3A_12 : i32 to index
      %get3A_89 = arith.constant 96 : index
      %get3A_90 = tpu.vector_load %arg4[%get3A_88, %get3A_89] {strides = array<i32>} : memref<16x512xf32, #tpu.memory_space<vmem>>, vector<16xf32>,
      %min3A_91 = arith.minimumf %min3A_79, %get3A_90 : vector<16xf32>
      %max3A_92 = arith.maximumf %min3A_79, %get3A_90 : vector<16xf32>
      %min3A_93 = arith.minimumf %min3A_81, %max3A_92 : vector<16xf32>
      %max3A_94 = arith.maximumf %min3A_81, %max3A_92 : vector<16xf32>
      %min3A_95 = arith.minimumf %min3A_83, %max3A_94 : vector<16xf32>
      %max3A_96 = arith.maximumf %min3A_83, %max3A_94 : vector<16xf32>
      %min3A_97 = arith.minimumf %min3A_85, %max3A_96 : vector<16xf32>
      %max3A_98 = arith.maximumf %min3A_85, %max3A_96 : vector<16xf32>
      %min3A_99 = arith.minimumf %min3A_87, %max3A_98 : vector<16xf32>
      %get3A_100 = arith.index_cast %scan3A_12 : i32 to index
      %get3A_101 = arith.constant 112 : index
      %get3A_102 = tpu.vector_load %arg4[%get3A_100, %get3A_101] {strides = array<i32>} : memref<16x512xf32, #tpu.memory_space<vmem>>, vector<16xf32>,
      %min3A_103 = arith.minimumf %min3A_91, %get3A_102 : vector<16xf32>
      %max3A_104 = arith.maximumf %min3A_91, %get3A_102 : vector<16xf32>
      %min3A_105 = arith.minimumf %min3A_93, %max3A_104 : vector<16xf32>
      %max3A_106 = arith.maximumf %min3A_93, %max3A_104 : vector<16xf32>
      %min3A_107 = arith.minimumf %min3A_95, %max3A_106 : vector<16xf32>
      %max3A_108 = arith.maximumf %min3A_95, %max3A_106 : vector<16xf32>
      %min3A_109 = arith.minimumf %min3A_97, %max3A_108 : vector<16xf32>
      %max3A_110 = arith.maximumf %min3A_97, %max3A_108 : vector<16xf32>
      %min3A_111 = arith.minimumf %min3A_99, %max3A_110 : vector<16xf32>
      %get3A_112 = arith.index_cast %scan3A_12 : i32 to index
      %get3A_113 = arith.constant 128 : index
      %get3A_114 = tpu.vector_load %arg4[%get3A_112, %get3A_113] {strides = array<i32>} : memref<16x512xf32, #tpu.memory_space<vmem>>, vector<16xf32>,
      %min3A_115 = arith.minimumf %min3A_103, %get3A_114 : vector<16xf32>
      %max3A_116 = arith.maximumf %min3A_103, %get3A_114 : vector<16xf32>
      %min3A_117 = arith.minimumf %min3A_105, %max3A_116 : vector<16xf32>
      %max3A_118 = arith.maximumf %min3A_105, %max3A_116 : vector<16xf32>
      %min3A_119 = arith.minimumf %min3A_107, %max3A_118 : vector<16xf32>
      %max3A_120 = arith.maximumf %min3A_107, %max3A_118 : vector<16xf32>
      %min3A_121 = arith.minimumf %min3A_109, %max3A_120 : vector<16xf32>
      %max3A_122 = arith.maximumf %min3A_109, %max3A_120 : vector<16xf32>
      %min3A_123 = arith.minimumf %min3A_111, %max3A_122 : vector<16xf32>
      %get3A_124 = arith.index_cast %scan3A_12 : i32 to index
      %get3A_125 = arith.constant 144 : index
      %get3A_126 = tpu.vector_load %arg4[%get3A_124, %get3A_125] {strides = array<i32>} : memref<16x512xf32, #tpu.memory_space<vmem>>, vector<16xf32>,
      %min3A_127 = arith.minimumf %min3A_115, %get3A_126 : vector<16xf32>
      %max3A_128 = arith.maximumf %min3A_115, %get3A_126 : vector<16xf32>
      %min3A_129 = arith.minimumf %min3A_117, %max3A_128 : vector<16xf32>
      %max3A_130 = arith.maximumf %min3A_117, %max3A_128 : vector<16xf32>
      %min3A_131 = arith.minimumf %min3A_119, %max3A_130 : vector<16xf32>
      %max3A_132 = arith.maximumf %min3A_119, %max3A_130 : vector<16xf32>
      %min3A_133 = arith.minimumf %min3A_121, %max3A_132 : vector<16xf32>
      %max3A_134 = arith.maximumf %min3A_121, %max3A_132 : vector<16xf32>
      %min3A_135 = arith.minimumf %min3A_123, %max3A_134 : vector<16xf32>
      %get3A_136 = arith.index_cast %scan3A_12 : i32 to index
      %get3A_137 = arith.constant 160 : index
      %get3A_138 = tpu.vector_load %arg4[%get3A_136, %get3A_137] {strides = array<i32>} : memref<16x512xf32, #tpu.memory_space<vmem>>, vector<16xf32>,
      %min3A_139 = arith.minimumf %min3A_127, %get3A_138 : vector<16xf32>
      %max3A_140 = arith.maximumf %min3A_127, %get3A_138 : vector<16xf32>
      %min3A_141 = arith.minimumf %min3A_129, %max3A_140 : vector<16xf32>
      %max3A_142 = arith.maximumf %min3A_129, %max3A_140 : vector<16xf32>
      %min3A_143 = arith.minimumf %min3A_131, %max3A_142 : vector<16xf32>
      %max3A_144 = arith.maximumf %min3A_131, %max3A_142 : vector<16xf32>
      %min3A_145 = arith.minimumf %min3A_133, %max3A_144 : vector<16xf32>
      %max3A_146 = arith.maximumf %min3A_133, %max3A_144 : vector<16xf32>
      %min3A_147 = arith.minimumf %min3A_135, %max3A_146 : vector<16xf32>
      %get3A_148 = arith.index_cast %scan3A_12 : i32 to index
      %get3A_149 = arith.constant 176 : index
      %get3A_150 = tpu.vector_load %arg4[%get3A_148, %get3A_149] {strides = array<i32>} : memref<16x512xf32, #tpu.memory_space<vmem>>, vector<16xf32>,
      %min3A_151 = arith.minimumf %min3A_139, %get3A_150 : vector<16xf32>
      %max3A_152 = arith.maximumf %min3A_139, %get3A_150 : vector<16xf32>
      %min3A_153 = arith.minimumf %min3A_141, %max3A_152 : vector<16xf32>
      %max3A_154 = arith.maximumf %min3A_141, %max3A_152 : vector<16xf32>
      %min3A_155 = arith.minimumf %min3A_143, %max3A_154 : vector<16xf32>
      %max3A_156 = arith.maximumf %min3A_143, %max3A_154 : vector<16xf32>
      %min3A_157 = arith.minimumf %min3A_145, %max3A_156 : vector<16xf32>
      %max3A_158 = arith.maximumf %min3A_145, %max3A_156 : vector<16xf32>
      %min3A_159 = arith.minimumf %min3A_147, %max3A_158 : vector<16xf32>
      %get3A_160 = arith.index_cast %scan3A_12 : i32 to index
      %get3A_161 = arith.constant 192 : index
      %get3A_162 = tpu.vector_load %arg4[%get3A_160, %get3A_161] {strides = array<i32>} : memref<16x512xf32, #tpu.memory_space<vmem>>, vector<16xf32>,
      %min3A_163 = arith.minimumf %min3A_151, %get3A_162 : vector<16xf32>
      %max3A_164 = arith.maximumf %min3A_151, %get3A_162 : vector<16xf32>
      %min3A_165 = arith.minimumf %min3A_153, %max3A_164 : vector<16xf32>
      %max3A_166 = arith.maximumf %min3A_153, %max3A_164 : vector<16xf32>
      %min3A_167 = arith.minimumf %min3A_155, %max3A_166 : vector<16xf32>
      %max3A_168 = arith.maximumf %min3A_155, %max3A_166 : vector<16xf32>
      %min3A_169 = arith.minimumf %min3A_157, %max3A_168 : vector<16xf32>
      %max3A_170 = arith.maximumf %min3A_157, %max3A_168 : vector<16xf32>
      %min3A_171 = arith.minimumf %min3A_159, %max3A_170 : vector<16xf32>
      %get3A_172 = arith.index_cast %scan3A_12 : i32 to index
      %get3A_173 = arith.constant 208 : index
      %get3A_174 = tpu.vector_load %arg4[%get3A_172, %get3A_173] {strides = array<i32>} : memref<16x512xf32, #tpu.memory_space<vmem>>, vector<16xf32>,
      %min3A_175 = arith.minimumf %min3A_163, %get3A_174 : vector<16xf32>
      %max3A_176 = arith.maximumf %min3A_163, %get3A_174 : vector<16xf32>
      %min3A_177 = arith.minimumf %min3A_165, %max3A_176 : vector<16xf32>
      %max3A_178 = arith.maximumf %min3A_165, %max3A_176 : vector<16xf32>
      %min3A_179 = arith.minimumf %min3A_167, %max3A_178 : vector<16xf32>
      %max3A_180 = arith.maximumf %min3A_167, %max3A_178 : vector<16xf32>
      %min3A_181 = arith.minimumf %min3A_169, %max3A_180 : vector<16xf32>
      %max3A_182 = arith.maximumf %min3A_169, %max3A_180 : vector<16xf32>
      %min3A_183 = arith.minimumf %min3A_171, %max3A_182 : vector<16xf32>
      %get3A_184 = arith.index_cast %scan3A_12 : i32 to index
      %get3A_185 = arith.constant 224 : index
      %get3A_186 = tpu.vector_load %arg4[%get3A_184, %get3A_185] {strides = array<i32>} : memref<16x512xf32, #tpu.memory_space<vmem>>, vector<16xf32>,
      %min3A_187 = arith.minimumf %min3A_175, %get3A_186 : vector<16xf32>
      %max3A_188 = arith.maximumf %min3A_175, %get3A_186 : vector<16xf32>
      %min3A_189 = arith.minimumf %min3A_177, %max3A_188 : vector<16xf32>
      %max3A_190 = arith.maximumf %min3A_177, %max3A_188 : vector<16xf32>
      %min3A_191 = arith.minimumf %min3A_179, %max3A_190 : vector<16xf32>
      %max3A_192 = arith.maximumf %min3A_179, %max3A_190 : vector<16xf32>
      %min3A_193 = arith.minimumf %min3A_181, %max3A_192 : vector<16xf32>
      %max3A_194 = arith.maximumf %min3A_181, %max3A_192 : vector<16xf32>
      %min3A_195 = arith.minimumf %min3A_183, %max3A_194 : vector<16xf32>
      %get3A_196 = arith.index_cast %scan3A_12 : i32 to index
      %get3A_197 = arith.constant 240 : index
      %get3A_198 = tpu.vector_load %arg4[%get3A_196, %get3A_197] {strides = array<i32>} : memref<16x512xf32, #tpu.memory_space<vmem>>, vector<16xf32>,
      %min3A_199 = arith.minimumf %min3A_187, %get3A_198 : vector<16xf32>
      %max3A_200 = arith.maximumf %min3A_187, %get3A_198 : vector<16xf32>
      %min3A_201 = arith.minimumf %min3A_189, %max3A_200 : vector<16xf32>
      %max3A_202 = arith.maximumf %min3A_189, %max3A_200 : vector<16xf32>
      %min3A_203 = arith.minimumf %min3A_191, %max3A_202 : vector<16xf32>
      %max3A_204 = arith.maximumf %min3A_191, %max3A_202 : vector<16xf32>
      %min3A_205 = arith.minimumf %min3A_193, %max3A_204 : vector<16xf32>
      %max3A_206 = arith.maximumf %min3A_193, %max3A_204 : vector<16xf32>
      %min3A_207 = arith.minimumf %min3A_195, %max3A_206 : vector<16xf32>
      %get3A_208 = arith.index_cast %scan3A_12 : i32 to index
      %get3A_209 = arith.constant 256 : index
      %get3A_210 = tpu.vector_load %arg4[%get3A_208, %get3A_209] {strides = array<i32>} : memref<16x512xf32, #tpu.memory_space<vmem>>, vector<16xf32>,
      %min3A_211 = arith.minimumf %min3A_199, %get3A_210 : vector<16xf32>
      %max3A_212 = arith.maximumf %min3A_199, %get3A_210 : vector<16xf32>
      %min3A_213 = arith.minimumf %min3A_201, %max3A_212 : vector<16xf32>
      %max3A_214 = arith.maximumf %min3A_201, %max3A_212 : vector<16xf32>
      %min3A_215 = arith.minimumf %min3A_203, %max3A_214 : vector<16xf32>
      %max3A_216 = arith.maximumf %min3A_203, %max3A_214 : vector<16xf32>
      %min3A_217 = arith.minimumf %min3A_205, %max3A_216 : vector<16xf32>
      %max3A_218 = arith.maximumf %min3A_205, %max3A_216 : vector<16xf32>
      %min3A_219 = arith.minimumf %min3A_207, %max3A_218 : vector<16xf32>
      %get3A_220 = arith.index_cast %scan3A_12 : i32 to index
      %get3A_221 = arith.constant 272 : index
      %get3A_222 = tpu.vector_load %arg4[%get3A_220, %get3A_221] {strides = array<i32>} : memref<16x512xf32, #tpu.memory_space<vmem>>, vector<16xf32>,
      %min3A_223 = arith.minimumf %min3A_211, %get3A_222 : vector<16xf32>
      %max3A_224 = arith.maximumf %min3A_211, %get3A_222 : vector<16xf32>
      %min3A_225 = arith.minimumf %min3A_213, %max3A_224 : vector<16xf32>
      %max3A_226 = arith.maximumf %min3A_213, %max3A_224 : vector<16xf32>
      %min3A_227 = arith.minimumf %min3A_215, %max3A_226 : vector<16xf32>
      %max3A_228 = arith.maximumf %min3A_215, %max3A_226 : vector<16xf32>
      %min3A_229 = arith.minimumf %min3A_217, %max3A_228 : vector<16xf32>
      %max3A_230 = arith.maximumf %min3A_217, %max3A_228 : vector<16xf32>
      %min3A_231 = arith.minimumf %min3A_219, %max3A_230 : vector<16xf32>
      %get3A_232 = arith.index_cast %scan3A_12 : i32 to index
      %get3A_233 = arith.constant 288 : index
      %get3A_234 = tpu.vector_load %arg4[%get3A_232, %get3A_233] {strides = array<i32>} : memref<16x512xf32, #tpu.memory_space<vmem>>, vector<16xf32>,
      %min3A_235 = arith.minimumf %min3A_223, %get3A_234 : vector<16xf32>
      %max3A_236 = arith.maximumf %min3A_223, %get3A_234 : vector<16xf32>
      %min3A_237 = arith.minimumf %min3A_225, %max3A_236 : vector<16xf32>
      %max3A_238 = arith.maximumf %min3A_225, %max3A_236 : vector<16xf32>
      %min3A_239 = arith.minimumf %min3A_227, %max3A_238 : vector<16xf32>
      %max3A_240 = arith.maximumf %min3A_227, %max3A_238 : vector<16xf32>
      %min3A_241 = arith.minimumf %min3A_229, %max3A_240 : vector<16xf32>
      %max3A_242 = arith.maximumf %min3A_229, %max3A_240 : vector<16xf32>
      %min3A_243 = arith.minimumf %min3A_231, %max3A_242 : vector<16xf32>
      %get3A_244 = arith.index_cast %scan3A_12 : i32 to index
      %get3A_245 = arith.constant 304 : index
      %get3A_246 = tpu.vector_load %arg4[%get3A_244, %get3A_245] {strides = array<i32>} : memref<16x512xf32, #tpu.memory_space<vmem>>, vector<16xf32>,
      %min3A_247 = arith.minimumf %min3A_235, %get3A_246 : vector<16xf32>
      %max3A_248 = arith.maximumf %min3A_235, %get3A_246 : vector<16xf32>
      %min3A_249 = arith.minimumf %min3A_237, %max3A_248 : vector<16xf32>
      %max3A_250 = arith.maximumf %min3A_237, %max3A_248 : vector<16xf32>
      %min3A_251 = arith.minimumf %min3A_239, %max3A_250 : vector<16xf32>
      %max3A_252 = arith.maximumf %min3A_239, %max3A_250 : vector<16xf32>
      %min3A_253 = arith.minimumf %min3A_241, %max3A_252 : vector<16xf32>
      %max3A_254 = arith.maximumf %min3A_241, %max3A_252 : vector<16xf32>
      %min3A_255 = arith.minimumf %min3A_243, %max3A_254 : vector<16xf32>
      %get3A_256 = arith.index_cast %scan3A_12 : i32 to index
      %get3A_257 = arith.constant 320 : index
      %get3A_258 = tpu.vector_load %arg4[%get3A_256, %get3A_257] {strides = array<i32>} : memref<16x512xf32, #tpu.memory_space<vmem>>, vector<16xf32>,
      %min3A_259 = arith.minimumf %min3A_247, %get3A_258 : vector<16xf32>
      %max3A_260 = arith.maximumf %min3A_247, %get3A_258 : vector<16xf32>
      %min3A_261 = arith.minimumf %min3A_249, %max3A_260 : vector<16xf32>
      %max3A_262 = arith.maximumf %min3A_249, %max3A_260 : vector<16xf32>
      %min3A_263 = arith.minimumf %min3A_251, %max3A_262 : vector<16xf32>
      %max3A_264 = arith.maximumf %min3A_251, %max3A_262 : vector<16xf32>
      %min3A_265 = arith.minimumf %min3A_253, %max3A_264 : vector<16xf32>
      %max3A_266 = arith.maximumf %min3A_253, %max3A_264 : vector<16xf32>
      %min3A_267 = arith.minimumf %min3A_255, %max3A_266 : vector<16xf32>
      %get3A_268 = arith.index_cast %scan3A_12 : i32 to index
      %get3A_269 = arith.constant 336 : index
      %get3A_270 = tpu.vector_load %arg4[%get3A_268, %get3A_269] {strides = array<i32>} : memref<16x512xf32, #tpu.memory_space<vmem>>, vector<16xf32>,
      %min3A_271 = arith.minimumf %min3A_259, %get3A_270 : vector<16xf32>
      %max3A_272 = arith.maximumf %min3A_259, %get3A_270 : vector<16xf32>
      %min3A_273 = arith.minimumf %min3A_261, %max3A_272 : vector<16xf32>
      %max3A_274 = arith.maximumf %min3A_261, %max3A_272 : vector<16xf32>
      %min3A_275 = arith.minimumf %min3A_263, %max3A_274 : vector<16xf32>
      %max3A_276 = arith.maximumf %min3A_263, %max3A_274 : vector<16xf32>
      %min3A_277 = arith.minimumf %min3A_265, %max3A_276 : vector<16xf32>
      %max3A_278 = arith.maximumf %min3A_265, %max3A_276 : vector<16xf32>
      %min3A_279 = arith.minimumf %min3A_267, %max3A_278 : vector<16xf32>
      %get3A_280 = arith.index_cast %scan3A_12 : i32 to index
      %get3A_281 = arith.constant 352 : index
      %get3A_282 = tpu.vector_load %arg4[%get3A_280, %get3A_281] {strides = array<i32>} : memref<16x512xf32, #tpu.memory_space<vmem>>, vector<16xf32>,
      %min3A_283 = arith.minimumf %min3A_271, %get3A_282 : vector<16xf32>
      %max3A_284 = arith.maximumf %min3A_271, %get3A_282 : vector<16xf32>
      %min3A_285 = arith.minimumf %min3A_273, %max3A_284 : vector<16xf32>
      %max3A_286 = arith.maximumf %min3A_273, %max3A_284 : vector<16xf32>
      %min3A_287 = arith.minimumf %min3A_275, %max3A_286 : vector<16xf32>
      %max3A_288 = arith.maximumf %min3A_275, %max3A_286 : vector<16xf32>
      %min3A_289 = arith.minimumf %min3A_277, %max3A_288 : vector<16xf32>
      %max3A_290 = arith.maximumf %min3A_277, %max3A_288 : vector<16xf32>
      %min3A_291 = arith.minimumf %min3A_279, %max3A_290 : vector<16xf32>
      %get3A_292 = arith.index_cast %scan3A_12 : i32 to index
      %get3A_293 = arith.constant 368 : index
      %get3A_294 = tpu.vector_load %arg4[%get3A_292, %get3A_293] {strides = array<i32>} : memref<16x512xf32, #tpu.memory_space<vmem>>, vector<16xf32>,
      %min3A_295 = arith.minimumf %min3A_283, %get3A_294 : vector<16xf32>
      %max3A_296 = arith.maximumf %min3A_283, %get3A_294 : vector<16xf32>
      %min3A_297 = arith.minimumf %min3A_285, %max3A_296 : vector<16xf32>
      %max3A_298 = arith.maximumf %min3A_285, %max3A_296 : vector<16xf32>
      %min3A_299 = arith.minimumf %min3A_287, %max3A_298 : vector<16xf32>
      %max3A_300 = arith.maximumf %min3A_287, %max3A_298 : vector<16xf32>
      %min3A_301 = arith.minimumf %min3A_289, %max3A_300 : vector<16xf32>
      %max3A_302 = arith.maximumf %min3A_289, %max3A_300 : vector<16xf32>
      %min3A_303 = arith.minimumf %min3A_291, %max3A_302 : vector<16xf32>
      %get3A_304 = arith.index_cast %scan3A_12 : i32 to index
      %get3A_305 = arith.constant 384 : index
      %get3A_306 = tpu.vector_load %arg4[%get3A_304, %get3A_305] {strides = array<i32>} : memref<16x512xf32, #tpu.memory_space<vmem>>, vector<16xf32>,
      %min3A_307 = arith.minimumf %min3A_295, %get3A_306 : vector<16xf32>
      %max3A_308 = arith.maximumf %min3A_295, %get3A_306 : vector<16xf32>
      %min3A_309 = arith.minimumf %min3A_297, %max3A_308 : vector<16xf32>
      %max3A_310 = arith.maximumf %min3A_297, %max3A_308 : vector<16xf32>
      %min3A_311 = arith.minimumf %min3A_299, %max3A_310 : vector<16xf32>
      %max3A_312 = arith.maximumf %min3A_299, %max3A_310 : vector<16xf32>
      %min3A_313 = arith.minimumf %min3A_301, %max3A_312 : vector<16xf32>
      %max3A_314 = arith.maximumf %min3A_301, %max3A_312 : vector<16xf32>
      %min3A_315 = arith.minimumf %min3A_303, %max3A_314 : vector<16xf32>
      %get3A_316 = arith.index_cast %scan3A_12 : i32 to index
      %get3A_317 = arith.constant 400 : index
      %get3A_318 = tpu.vector_load %arg4[%get3A_316, %get3A_317] {strides = array<i32>} : memref<16x512xf32, #tpu.memory_space<vmem>>, vector<16xf32>,
      %min3A_319 = arith.minimumf %min3A_307, %get3A_318 : vector<16xf32>
      %max3A_320 = arith.maximumf %min3A_307, %get3A_318 : vector<16xf32>
      %min3A_321 = arith.minimumf %min3A_309, %max3A_320 : vector<16xf32>
      %max3A_322 = arith.maximumf %min3A_309, %max3A_320 : vector<16xf32>
      %min3A_323 = arith.minimumf %min3A_311, %max3A_322 : vector<16xf32>
      %max3A_324 = arith.maximumf %min3A_311, %max3A_322 : vector<16xf32>
      %min3A_325 = arith.minimumf %min3A_313, %max3A_324 : vector<16xf32>
      %max3A_326 = arith.maximumf %min3A_313, %max3A_324 : vector<16xf32>
      %min3A_327 = arith.minimumf %min3A_315, %max3A_326 : vector<16xf32>
      %get3A_328 = arith.index_cast %scan3A_12 : i32 to index
      %get3A_329 = arith.constant 416 : index
      %get3A_330 = tpu.vector_load %arg4[%get3A_328, %get3A_329] {strides = array<i32>} : memref<16x512xf32, #tpu.memory_space<vmem>>, vector<16xf32>,
      %min3A_331 = arith.minimumf %min3A_319, %get3A_330 : vector<16xf32>
      %max3A_332 = arith.maximumf %min3A_319, %get3A_330 : vector<16xf32>
      %min3A_333 = arith.minimumf %min3A_321, %max3A_332 : vector<16xf32>
      %max3A_334 = arith.maximumf %min3A_321, %max3A_332 : vector<16xf32>
      %min3A_335 = arith.minimumf %min3A_323, %max3A_334 : vector<16xf32>
      %max3A_336 = arith.maximumf %min3A_323, %max3A_334 : vector<16xf32>
      %min3A_337 = arith.minimumf %min3A_325, %max3A_336 : vector<16xf32>
      %max3A_338 = arith.maximumf %min3A_325, %max3A_336 : vector<16xf32>
      %min3A_339 = arith.minimumf %min3A_327, %max3A_338 : vector<16xf32>
      %get3A_340 = arith.index_cast %scan3A_12 : i32 to index
      %get3A_341 = arith.constant 432 : index
      %get3A_342 = tpu.vector_load %arg4[%get3A_340, %get3A_341] {strides = array<i32>} : memref<16x512xf32, #tpu.memory_space<vmem>>, vector<16xf32>,
      %min3A_343 = arith.minimumf %min3A_331, %get3A_342 : vector<16xf32>
      %max3A_344 = arith.maximumf %min3A_331, %get3A_342 : vector<16xf32>
      %min3A_345 = arith.minimumf %min3A_333, %max3A_344 : vector<16xf32>
      %max3A_346 = arith.maximumf %min3A_333, %max3A_344 : vector<16xf32>
      %min3A_347 = arith.minimumf %min3A_335, %max3A_346 : vector<16xf32>
      %max3A_348 = arith.maximumf %min3A_335, %max3A_346 : vector<16xf32>
      %min3A_349 = arith.minimumf %min3A_337, %max3A_348 : vector<16xf32>
      %max3A_350 = arith.maximumf %min3A_337, %max3A_348 : vector<16xf32>
      %min3A_351 = arith.minimumf %min3A_339, %max3A_350 : vector<16xf32>
      %get3A_352 = arith.index_cast %scan3A_12 : i32 to index
      %get3A_353 = arith.constant 448 : index
      %get3A_354 = tpu.vector_load %arg4[%get3A_352, %get3A_353] {strides = array<i32>} : memref<16x512xf32, #tpu.memory_space<vmem>>, vector<16xf32>,
      %min3A_355 = arith.minimumf %min3A_343, %get3A_354 : vector<16xf32>
      %max3A_356 = arith.maximumf %min3A_343, %get3A_354 : vector<16xf32>
      %min3A_357 = arith.minimumf %min3A_345, %max3A_356 : vector<16xf32>
      %max3A_358 = arith.maximumf %min3A_345, %max3A_356 : vector<16xf32>
      %min3A_359 = arith.minimumf %min3A_347, %max3A_358 : vector<16xf32>
      %max3A_360 = arith.maximumf %min3A_347, %max3A_358 : vector<16xf32>
      %min3A_361 = arith.minimumf %min3A_349, %max3A_360 : vector<16xf32>
      %max3A_362 = arith.maximumf %min3A_349, %max3A_360 : vector<16xf32>
      %min3A_363 = arith.minimumf %min3A_351, %max3A_362 : vector<16xf32>
      %get3A_364 = arith.index_cast %scan3A_12 : i32 to index
      %get3A_365 = arith.constant 464 : index
      %get3A_366 = tpu.vector_load %arg4[%get3A_364, %get3A_365] {strides = array<i32>} : memref<16x512xf32, #tpu.memory_space<vmem>>, vector<16xf32>,
      %min3A_367 = arith.minimumf %min3A_355, %get3A_366 : vector<16xf32>
      %max3A_368 = arith.maximumf %min3A_355, %get3A_366 : vector<16xf32>
      %min3A_369 = arith.minimumf %min3A_357, %max3A_368 : vector<16xf32>
      %max3A_370 = arith.maximumf %min3A_357, %max3A_368 : vector<16xf32>
      %min3A_371 = arith.minimumf %min3A_359, %max3A_370 : vector<16xf32>
      %max3A_372 = arith.maximumf %min3A_359, %max3A_370 : vector<16xf32>
      %min3A_373 = arith.minimumf %min3A_361, %max3A_372 : vector<16xf32>
      %max3A_374 = arith.maximumf %min3A_361, %max3A_372 : vector<16xf32>
      %min3A_375 = arith.minimumf %min3A_363, %max3A_374 : vector<16xf32>
      %get3A_376 = arith.index_cast %scan3A_12 : i32 to index
      %get3A_377 = arith.constant 480 : index
      %get3A_378 = tpu.vector_load %arg4[%get3A_376, %get3A_377] {strides = array<i32>} : memref<16x512xf32, #tpu.memory_space<vmem>>, vector<16xf32>,
      %min3A_379 = arith.minimumf %min3A_367, %get3A_378 : vector<16xf32>
      %max3A_380 = arith.maximumf %min3A_367, %get3A_378 : vector<16xf32>
      %min3A_381 = arith.minimumf %min3A_369, %max3A_380 : vector<16xf32>
      %max3A_382 = arith.maximumf %min3A_369, %max3A_380 : vector<16xf32>
      %min3A_383 = arith.minimumf %min3A_371, %max3A_382 : vector<16xf32>
      %max3A_384 = arith.maximumf %min3A_371, %max3A_382 : vector<16xf32>
      %min3A_385 = arith.minimumf %min3A_373, %max3A_384 : vector<16xf32>
      %max3A_386 = arith.maximumf %min3A_373, %max3A_384 : vector<16xf32>
      %min3A_387 = arith.minimumf %min3A_375, %max3A_386 : vector<16xf32>
      %get3A_388 = arith.index_cast %scan3A_12 : i32 to index
      %get3A_389 = arith.constant 496 : index
      %get3A_390 = tpu.vector_load %arg4[%get3A_388, %get3A_389] {strides = array<i32>} : memref<16x512xf32, #tpu.memory_space<vmem>>, vector<16xf32>,
      %min3A_391 = arith.minimumf %min3A_379, %get3A_390 : vector<16xf32>
      %max3A_392 = arith.maximumf %min3A_379, %get3A_390 : vector<16xf32>
      %min3A_393 = arith.minimumf %min3A_381, %max3A_392 : vector<16xf32>
      %max3A_394 = arith.maximumf %min3A_381, %max3A_392 : vector<16xf32>
      %min3A_395 = arith.minimumf %min3A_383, %max3A_394 : vector<16xf32>
      %max3A_396 = arith.maximumf %min3A_383, %max3A_394 : vector<16xf32>
      %min3A_397 = arith.minimumf %min3A_385, %max3A_396 : vector<16xf32>
      %max3A_398 = arith.maximumf %min3A_385, %max3A_396 : vector<16xf32>
      %min3A_399 = arith.minimumf %min3A_387, %max3A_398 : vector<16xf32>
      %masked_sort3A = arith.constant dense<true> : vector<16xi1>
      %masked_sort3A_400, %masked_sort3A_401, %masked_sort3A_402 = tpu.sort %min3A_391, %min3A_391 masked %masked_sort3A : (vector<16xf32>, vector<16xf32>, vector<16xi1>) -> (vector<16xi1>, vector<16xf32>, vector<16xf32>)
      %masked_sort3A_403 = arith.constant dense<true> : vector<16xi1>
      %masked_sort3A_404, %masked_sort3A_405, %masked_sort3A_406 = tpu.sort %min3A_393, %min3A_393 masked %masked_sort3A_403 : (vector<16xf32>, vector<16xf32>, vector<16xi1>) -> (vector<16xi1>, vector<16xf32>, vector<16xf32>)
      %rev3A = arith.constant 15 : i32
      %rev3A_407 = vector.broadcast %rev3A : i32 to vector<16xi32>
      %rev3A_408 = tpu.iota {dimensions = array<i32: 0>} : vector<16xi32>
      %rev3A_409 = arith.subi %rev3A_407, %rev3A_408 : vector<16xi32>
      %rev3A_410 = tpu.dynamic_gather %masked_sort3A_405[%rev3A_409] in [0] : vector<16xf32>, vector<16xi32> -> vector<16xf32>
      %min3A_411 = arith.minimumf %masked_sort3A_401, %rev3A_410 : vector<16xf32>
      %masked_sort3A_412 = arith.constant dense<true> : vector<16xi1>
      %masked_sort3A_413, %masked_sort3A_414, %masked_sort3A_415 = tpu.sort %min3A_411, %min3A_411 masked %masked_sort3A_412 : (vector<16xf32>, vector<16xf32>, vector<16xi1>) -> (vector<16xi1>, vector<16xf32>, vector<16xf32>)
      %masked_sort3A_416 = arith.constant dense<true> : vector<16xi1>
      %masked_sort3A_417, %masked_sort3A_418, %masked_sort3A_419 = tpu.sort %min3A_395, %min3A_395 masked %masked_sort3A_416 : (vector<16xf32>, vector<16xf32>, vector<16xi1>) -> (vector<16xi1>, vector<16xf32>, vector<16xf32>)
      %rev3A_420 = arith.constant 15 : i32
      %rev3A_421 = vector.broadcast %rev3A_420 : i32 to vector<16xi32>
      %rev3A_422 = tpu.iota {dimensions = array<i32: 0>} : vector<16xi32>
      %rev3A_423 = arith.subi %rev3A_421, %rev3A_422 : vector<16xi32>
      %rev3A_424 = tpu.dynamic_gather %masked_sort3A_418[%rev3A_423] in [0] : vector<16xf32>, vector<16xi32> -> vector<16xf32>
      %min3A_425 = arith.minimumf %masked_sort3A_414, %rev3A_424 : vector<16xf32>
      %masked_sort3A_426 = arith.constant dense<true> : vector<16xi1>
      %masked_sort3A_427, %masked_sort3A_428, %masked_sort3A_429 = tpu.sort %min3A_425, %min3A_425 masked %masked_sort3A_426 : (vector<16xf32>, vector<16xf32>, vector<16xi1>) -> (vector<16xi1>, vector<16xf32>, vector<16xf32>)
      %masked_sort3A_430 = arith.constant dense<true> : vector<16xi1>
      %masked_sort3A_431, %masked_sort3A_432, %masked_sort3A_433 = tpu.sort %min3A_397, %min3A_397 masked %masked_sort3A_430 : (vector<16xf32>, vector<16xf32>, vector<16xi1>) -> (vector<16xi1>, vector<16xf32>, vector<16xf32>)
      %rev3A_434 = arith.constant 15 : i32
      %rev3A_435 = vector.broadcast %rev3A_434 : i32 to vector<16xi32>
      %rev3A_436 = tpu.iota {dimensions = array<i32: 0>} : vector<16xi32>
      %rev3A_437 = arith.subi %rev3A_435, %rev3A_436 : vector<16xi32>
      %rev3A_438 = tpu.dynamic_gather %masked_sort3A_432[%rev3A_437] in [0] : vector<16xf32>, vector<16xi32> -> vector<16xf32>
      %min3A_439 = arith.minimumf %masked_sort3A_428, %rev3A_438 : vector<16xf32>
      %masked_sort3A_440 = arith.constant dense<true> : vector<16xi1>
      %masked_sort3A_441, %masked_sort3A_442, %masked_sort3A_443 = tpu.sort %min3A_439, %min3A_439 masked %masked_sort3A_440 : (vector<16xf32>, vector<16xf32>, vector<16xi1>) -> (vector<16xi1>, vector<16xf32>, vector<16xf32>)
      %masked_sort3A_444 = arith.constant dense<true> : vector<16xi1>
      %masked_sort3A_445, %masked_sort3A_446, %masked_sort3A_447 = tpu.sort %min3A_399, %min3A_399 masked %masked_sort3A_444 : (vector<16xf32>, vector<16xf32>, vector<16xi1>) -> (vector<16xi1>, vector<16xf32>, vector<16xf32>)
      %rev3A_448 = arith.constant 15 : i32
      %rev3A_449 = vector.broadcast %rev3A_448 : i32 to vector<16xi32>
      %rev3A_450 = tpu.iota {dimensions = array<i32: 0>} : vector<16xi32>
      %rev3A_451 = arith.subi %rev3A_449, %rev3A_450 : vector<16xi32>
      %rev3A_452 = tpu.dynamic_gather %masked_sort3A_446[%rev3A_451] in [0] : vector<16xf32>, vector<16xi32> -> vector<16xf32>
      %min3A_453 = arith.minimumf %masked_sort3A_442, %rev3A_452 : vector<16xf32>
      %masked_sort3A_454 = arith.constant dense<true> : vector<16xi1>
      %masked_sort3A_455, %masked_sort3A_456, %masked_sort3A_457 = tpu.sort %min3A_453, %min3A_453 masked %masked_sort3A_454 : (vector<16xf32>, vector<16xf32>, vector<16xi1>) -> (vector<16xi1>, vector<16xf32>, vector<16xf32>)
      %iota3A = tpu.iota {dimensions = array<i32: 0>} : vector<16xi32>
      %eq3A = arith.constant 4 : i32
      %eq3A_458 = vector.broadcast %eq3A : i32 to vector<16xi32>
      %eq3A_459 = arith.cmpi eq, %iota3A, %eq3A_458 : vector<16xi32>
      %broadcast_in_dim3A_460 = vector.broadcast %scan3A_4 : f32 to vector<16xf32>
      %select_n3A = arith.select %eq3A_459, %masked_sort3A_456, %broadcast_in_dim3A_460 : vector<16xi1>, vector<16xf32>
      %broadcast_in_dim3A_461 = arith.constant true
      %broadcast_in_dim3A_462 = vector.broadcast %broadcast_in_dim3A_461 : i1 to vector<16xi1>
      %masked_cummax3A = tpu.scan <max>, %select_n3A masked %broadcast_in_dim3A_462 : vector<16xf32>, vector<16xi1> -> vector<16xf32>
      %rev3A_463 = arith.constant 15 : i32
      %rev3A_464 = vector.broadcast %rev3A_463 : i32 to vector<16xi32>
      %rev3A_465 = tpu.iota {dimensions = array<i32: 0>} : vector<16xi32>
      %rev3A_466 = arith.subi %rev3A_464, %rev3A_465 : vector<16xi32>
      %rev3A_467 = tpu.dynamic_gather %masked_cummax3A[%rev3A_466] in [0] : vector<16xf32>, vector<16xi32> -> vector<16xf32>
      %broadcast_in_dim3A_468 = arith.constant true
      %broadcast_in_dim3A_469 = vector.broadcast %broadcast_in_dim3A_468 : i1 to vector<16xi1>
      %masked_cummax3A_470 = tpu.scan <max>, %rev3A_467 masked %broadcast_in_dim3A_469 : vector<16xf32>, vector<16xi1> -> vector<16xf32>
      %iota3A_471 = tpu.iota {dimensions = array<i32: 0>} : vector<16xi32>
      %eq3A_472 = vector.broadcast %scan3A_12 : i32 to vector<16xi32>
      %eq3A_473 = arith.cmpi eq, %iota3A_471, %eq3A_472 : vector<16xi32>
      %select_n3A_474 = arith.select %eq3A_473, %masked_cummax3A_470, %scan3A_13 : vector<16xi1>, vector<16xf32>
      scf.yield %select_n3A_474 : vector<16xf32>
    }
    %scan3A_10 = arith.constant 16 : i32
    %swap3A = arith.constant 0 : index
    %swap3A_11 = tpu.vector_load %arg5[%swap3A] {strides = array<i32>} : memref<16xf32, #tpu.memory_space<vmem>>, vector<16xf32>,
    tpu.vector_store %arg5[%swap3A], %scan3A_9 {strides = array<i32>} : memref<16xf32, #tpu.memory_space<vmem>>, vector<16xf32>,
    "tpu.region"() ({
      %run_scoped3A = tpu.sem_alloc : memref<!tpu.dma_semaphore, #tpu.memory_space<semaphore_mem>>
      %dma_start3A = arith.constant 0 : i32
      %dma_start3A_12 = tpu.memref_slice %arg3[%add3A, %dma_start3A] : memref<32x16xf32, #tpu.memory_space<hbm>> -> memref<1x16xf32, #tpu.memory_space<hbm>>
      %dma_start3A_13 = tpu.memref_squeeze %dma_start3A_12 : memref<1x16xf32, #tpu.memory_space<hbm>> -> memref<16xf32, #tpu.memory_space<hbm>>
      %dma_start3A_14 = arith.constant 0 : i32
      %dma_start3A_15 = tpu.memref_slice %arg3[%add3A, %dma_start3A_14] : memref<32x16xf32, #tpu.memory_space<hbm>> -> memref<1x16xf32, #tpu.memory_space<hbm>>
      %dma_start3A_16 = tpu.memref_squeeze %dma_start3A_15 : memref<1x16xf32, #tpu.memory_space<hbm>> -> memref<16xf32, #tpu.memory_space<hbm>>
      tpu.enqueue_dma source(%arg5 : memref<16xf32, #tpu.memory_space<vmem>>) target(%dma_start3A_16 : memref<16xf32, #tpu.memory_space<hbm>>) target_semaphore(%run_scoped3A : memref<!tpu.dma_semaphore, #tpu.memory_space<semaphore_mem>>)
      %dma_wait3A = arith.constant 0 : i32
      %dma_wait3A_17 = tpu.memref_slice %arg3[%add3A, %dma_wait3A] : memref<32x16xf32, #tpu.memory_space<hbm>> -> memref<1x16xf32, #tpu.memory_space<hbm>>
      %dma_wait3A_18 = tpu.memref_squeeze %dma_wait3A_17 : memref<1x16xf32, #tpu.memory_space<hbm>> -> memref<16xf32, #tpu.memory_space<hbm>>
      %dma_wait3A_19 = arith.constant 0 : i32
      %dma_wait3A_20 = tpu.memref_slice %arg3[%add3A, %dma_wait3A_19] : memref<32x16xf32, #tpu.memory_space<hbm>> -> memref<1x16xf32, #tpu.memory_space<hbm>>
      %dma_wait3A_21 = tpu.memref_squeeze %dma_wait3A_20 : memref<1x16xf32, #tpu.memory_space<hbm>> -> memref<16xf32, #tpu.memory_space<hbm>>
      tpu.wait_dma2 semaphore(%run_scoped3A : memref<!tpu.dma_semaphore, #tpu.memory_space<semaphore_mem>>) src(%arg5 : memref<16xf32, #tpu.memory_space<vmem>>) dst(%dma_wait3A_21 : memref<16xf32, #tpu.memory_space<hbm>>)
      tpu.yield
    }) : () -> ()
    return
  }
}

module attributes {stable_mosaic.version = 14 : i64} {
  func.func @_prep_kernel(%arg0: memref<512x128xf32, #tpu.memory_space<vmem>>, %arg1: memref<512x1xi32, #tpu.memory_space<vmem>>, %arg2: memref<1x512xi32, #tpu.memory_space<vmem>>, %arg3: memref<512x512xf32, #tpu.memory_space<vmem>>, %arg4: memref<8x512xf32, #tpu.memory_space<vmem>>) attributes {dimension_semantics = [], scalar_prefetch = 0 : i64, scratch_operands = 0 : i64, tpu.core_type = #tpu.core_type<tc>} {
    %get3A = arith.constant 0 : index
    %get3A_0 = arith.constant 0 : index
    %get3A_1 = vector.load %arg0[%get3A, %get3A_0] : memref<512x128xf32, #tpu.memory_space<vmem>>, vector<512x128xf32>
    %get3A_2 = arith.constant 0 : index
    %get3A_3 = arith.constant 0 : index
    %get3A_4 = vector.load %arg1[%get3A_2, %get3A_3] : memref<512x1xi32, #tpu.memory_space<vmem>>, vector<512x1xi32>
    %get3A_5 = arith.constant 0 : index
    %get3A_6 = arith.constant 0 : index
    %get3A_7 = vector.load %arg2[%get3A_5, %get3A_6] : memref<1x512xi32, #tpu.memory_space<vmem>>, vector<1x512xi32>
    %dot_general3A = arith.constant dense<0.000000e+00> : vector<512x512xf32>
    %dot_general3A_8 = tpu.matmul %get3A_1, %get3A_1, %dot_general3A {dimension_numbers = #tpu.dot_dimension_numbers<[1], [1], [0], [0], [0, 0, 1, 0], [], []>, transpose_lhs_hint = false} : vector<512x128xf32>, vector<512x128xf32>, vector<512x512xf32> -> vector<512x512xf32>
    %iota3A = tpu.iota {dimensions = array<i32: 0>} : vector<512x512xi32>
    %iota3A_9 = tpu.iota {dimensions = array<i32: 1>} : vector<512x512xi32>
    %eq3A = arith.cmpi eq, %iota3A, %iota3A_9 : vector<512x512xi32>
    %jit3A = arith.constant 0.000000e+00 : f32
    %broadcast_in_dim3A = vector.broadcast %jit3A : f32 to vector<512x512xf32>
    %select_n3A = arith.select %eq3A, %dot_general3A_8, %broadcast_in_dim3A : vector<512x512xi1>, vector<512x512xf32>
    %reduce_sum3A = arith.constant dense<0.000000e+00> : vector<512xf32>
    %reduce_sum3A_10 = vector.multi_reduction <add>, %select_n3A, %reduce_sum3A [1] : vector<512x512xf32> to vector<512xf32>
    %broadcast_in_dim3A_11 = vector.shape_cast %reduce_sum3A_10 : vector<512xf32> to vector<512x1xf32>
    %reduce_sum3A_12 = arith.constant dense<0.000000e+00> : vector<512xf32>
    %reduce_sum3A_13 = vector.multi_reduction <add>, %select_n3A, %reduce_sum3A_12 [0] : vector<512x512xf32> to vector<512xf32>
    %broadcast_in_dim3A_14 = vector.shape_cast %reduce_sum3A_13 : vector<512xf32> to vector<1x512xf32>
    %eq3A_15 = vector.broadcast %get3A_4 : vector<512x1xi32> to vector<512x512xi32>
    %eq3A_16 = vector.broadcast %get3A_7 : vector<1x512xi32> to vector<512x512xi32>
    %eq3A_17 = arith.cmpi eq, %eq3A_15, %eq3A_16 : vector<512x512xi32>
    %mul3A = arith.constant 2.000000e+00 : f32
    %mul3A_18 = vector.broadcast %mul3A : f32 to vector<512x512xf32>
    %mul3A_19 = arith.mulf %mul3A_18, %dot_general3A_8 : vector<512x512xf32>
    %sub3A = vector.broadcast %broadcast_in_dim3A_11 : vector<512x1xf32> to vector<512x512xf32>
    %sub3A_20 = arith.subf %sub3A, %mul3A_19 : vector<512x512xf32>
    %add3A = vector.broadcast %broadcast_in_dim3A_14 : vector<1x512xf32> to vector<512x512xf32>
    %add3A_21 = arith.addf %sub3A_20, %add3A : vector<512x512xf32>
    %max3A = arith.constant 0.000000e+00 : f32
    %max3A_22 = vector.broadcast %max3A : f32 to vector<512x512xf32>
    %max3A_23 = arith.maximumf %add3A_21, %max3A_22 : vector<512x512xf32>
    %eq3A_24 = arith.constant 0.000000e+00 : f32
    %eq3A_25 = vector.broadcast %eq3A_24 : f32 to vector<512x512xf32>
    %eq3A_26 = arith.cmpf oeq, %max3A_23, %eq3A_25 : vector<512x512xf32>
    %sqrt3A = math.sqrt %max3A_23 : vector<512x512xf32>
    %jit3A_27 = arith.constant 0.000000e+00 : f32
    %broadcast_in_dim3A_28 = vector.broadcast %jit3A_27 : f32 to vector<512x512xf32>
    %select_n3A_29 = arith.select %eq3A_26, %broadcast_in_dim3A_28, %sqrt3A : vector<512x512xi1>, vector<512x512xf32>
    %jit3A_30 = arith.constant 0x7F800000 : f32
    %broadcast_in_dim3A_31 = vector.broadcast %jit3A_30 : f32 to vector<512x512xf32>
    %select_n3A_32 = arith.select %eq3A_17, %broadcast_in_dim3A_31, %select_n3A_29 : vector<512x512xi1>, vector<512x512xf32>
    %swap3A = arith.constant 0 : index
    %swap3A_33 = arith.constant 0 : index
    %swap3A_34 = vector.load %arg3[%swap3A, %swap3A_33] : memref<512x512xf32, #tpu.memory_space<vmem>>, vector<512x512xf32>
    tpu.vector_store %arg3[%swap3A, %swap3A_33], %select_n3A_32 {strides = array<i32>} : memref<512x512xf32, #tpu.memory_space<vmem>>, vector<512x512xf32>,
    %convert_element_type3A = arith.extui %eq3A_17 : vector<512x512xi1> to vector<512x512xi32>
    %convert_element_type3A_35 = arith.sitofp %convert_element_type3A : vector<512x512xi32> to vector<512x512xf32>
    %reduce_sum3A_36 = arith.constant dense<0.000000e+00> : vector<512xf32>
    %reduce_sum3A_37 = vector.multi_reduction <add>, %convert_element_type3A_35, %reduce_sum3A_36 [1] : vector<512x512xf32> to vector<512xf32>
    %broadcast_in_dim3A_38 = vector.shape_cast %reduce_sum3A_37 : vector<512xf32> to vector<512x1xf32>
    %lt3A = arith.constant 5.000000e+00 : f32
    %lt3A_39 = vector.broadcast %lt3A : f32 to vector<512x1xf32>
    %lt3A_40 = arith.cmpf olt, %broadcast_in_dim3A_38, %lt3A_39 : vector<512x1xf32>
    %convert_element_type3A_41 = arith.extui %lt3A_40 : vector<512x1xi1> to vector<512x1xi32>
    %convert_element_type3A_42 = arith.sitofp %convert_element_type3A_41 : vector<512x1xi32> to vector<512x1xf32>
    %not3A = arith.constant dense<true> : vector<512x512xi1>
    %not3A_43 = arith.xori %eq3A, %not3A : vector<512x512xi1>
    %and3A = arith.andi %eq3A_17, %not3A_43 : vector<512x512xi1>
    %convert_element_type3A_44 = arith.extui %and3A : vector<512x512xi1> to vector<512x512xi32>
    %convert_element_type3A_45 = arith.sitofp %convert_element_type3A_44 : vector<512x512xi32> to vector<512x512xf32>
    %reduce_sum3A_46 = arith.constant dense<0.000000e+00> : vector<512xf32>
    %reduce_sum3A_47 = vector.multi_reduction <add>, %convert_element_type3A_45, %reduce_sum3A_46 [1] : vector<512x512xf32> to vector<512xf32>
    %broadcast_in_dim3A_48 = vector.shape_cast %reduce_sum3A_47 : vector<512xf32> to vector<512x1xf32>
    %jit3A_49 = arith.constant 0xFF800000 : f32
    %broadcast_in_dim3A_50 = vector.broadcast %jit3A_49 : f32 to vector<512x512xf32>
    %select_n3A_51 = arith.select %and3A, %select_n3A_29, %broadcast_in_dim3A_50 : vector<512x512xi1>, vector<512x512xf32>
    %reduce_max3A = arith.constant dense<0xFF800000> : vector<512xf32>
    %reduce_max3A_52 = vector.multi_reduction <maximumf>, %select_n3A_51, %reduce_max3A [1] : vector<512x512xf32> to vector<512xf32>
    %broadcast_in_dim3A_53 = vector.shape_cast %reduce_max3A_52 : vector<512xf32> to vector<512x1xf32>
    %jit3A_54 = arith.constant 0x7F800000 : f32
    %broadcast_in_dim3A_55 = vector.broadcast %jit3A_54 : f32 to vector<512x512xf32>
    %select_n3A_56 = arith.select %and3A, %select_n3A_29, %broadcast_in_dim3A_55 : vector<512x512xi1>, vector<512x512xf32>
    %reduce_min3A = arith.constant dense<0x7F800000> : vector<512xf32>
    %reduce_min3A_57 = vector.multi_reduction <minimumf>, %select_n3A_56, %reduce_min3A [1] : vector<512x512xf32> to vector<512xf32>
    %broadcast_in_dim3A_58 = vector.shape_cast %reduce_min3A_57 : vector<512xf32> to vector<512x1xf32>
    %jit3A_59 = arith.constant 0.000000e+00 : f32
    %broadcast_in_dim3A_60 = vector.broadcast %jit3A_59 : f32 to vector<512x512xf32>
    %select_n3A_61 = arith.select %and3A, %select_n3A_29, %broadcast_in_dim3A_60 : vector<512x512xi1>, vector<512x512xf32>
    %reduce_sum3A_62 = arith.constant dense<0.000000e+00> : vector<512xf32>
    %reduce_sum3A_63 = vector.multi_reduction <add>, %select_n3A_61, %reduce_sum3A_62 [1] : vector<512x512xf32> to vector<512xf32>
    %broadcast_in_dim3A_64 = vector.shape_cast %reduce_sum3A_63 : vector<512xf32> to vector<512x1xf32>
    %ge3A = arith.constant 3.000000e+00 : f32
    %ge3A_65 = vector.broadcast %ge3A : f32 to vector<512x1xf32>
    %ge3A_66 = arith.cmpf oge, %broadcast_in_dim3A_48, %ge3A_65 : vector<512x1xf32>
    %sub3A_67 = arith.subf %broadcast_in_dim3A_64, %broadcast_in_dim3A_53 : vector<512x1xf32>
    %sub3A_68 = arith.subf %sub3A_67, %broadcast_in_dim3A_58 : vector<512x1xf32>
    %jit3A_69 = arith.constant 0xFF800000 : f32
    %broadcast_in_dim3A_70 = vector.broadcast %jit3A_69 : f32 to vector<512x1xf32>
    %select_n3A_71 = arith.select %ge3A_66, %sub3A_68, %broadcast_in_dim3A_70 : vector<512x1xi1>, vector<512x1xf32>
    %ge3A_72 = arith.constant 2.000000e+00 : f32
    %ge3A_73 = vector.broadcast %ge3A_72 : f32 to vector<512x1xf32>
    %ge3A_74 = arith.cmpf oge, %broadcast_in_dim3A_48, %ge3A_73 : vector<512x1xf32>
    %jit3A_75 = arith.constant 0xFF800000 : f32
    %broadcast_in_dim3A_76 = vector.broadcast %jit3A_75 : f32 to vector<512x1xf32>
    %select_n3A_77 = arith.select %ge3A_74, %broadcast_in_dim3A_58, %broadcast_in_dim3A_76 : vector<512x1xi1>, vector<512x1xf32>
    %broadcast_in_dim3A_78 = arith.constant 0.000000e+00 : f32
    %broadcast_in_dim3A_79 = vector.broadcast %broadcast_in_dim3A_78 : f32 to vector<4x512xf32>
    %broadcast_in_dim3A_80 = arith.constant 0.000000e+00 : f32
    %broadcast_in_dim3A_81 = vector.broadcast %broadcast_in_dim3A_80 : f32 to vector<512x512xf32>
    %add3A_82 = vector.broadcast %broadcast_in_dim3A_53 : vector<512x1xf32> to vector<512x512xf32>
    %add3A_83 = arith.addf %add3A_82, %broadcast_in_dim3A_81 : vector<512x512xf32>
    %jit3A_84 = arith.constant 0.000000e+00 : f32
    %broadcast_in_dim3A_85 = vector.broadcast %jit3A_84 : f32 to vector<512x512xf32>
    %select_n3A_86 = arith.select %eq3A, %add3A_83, %broadcast_in_dim3A_85 : vector<512x512xi1>, vector<512x512xf32>
    %reduce_sum3A_87 = arith.constant dense<0.000000e+00> : vector<512xf32>
    %reduce_sum3A_88 = vector.multi_reduction <add>, %select_n3A_86, %reduce_sum3A_87 [0] : vector<512x512xf32> to vector<512xf32>
    %broadcast_in_dim3A_89 = vector.shape_cast %reduce_sum3A_88 : vector<512xf32> to vector<1x512xf32>
    %add3A_90 = arith.constant 1.000000e+00 : f32
    %add3A_91 = vector.broadcast %add3A_90 : f32 to vector<1x512xf32>
    %add3A_92 = arith.addf %broadcast_in_dim3A_89, %add3A_91 : vector<1x512xf32>
    %broadcast_in_dim3A_93 = arith.constant 0.000000e+00 : f32
    %broadcast_in_dim3A_94 = vector.broadcast %broadcast_in_dim3A_93 : f32 to vector<512x512xf32>
    %add3A_95 = vector.broadcast %select_n3A_71 : vector<512x1xf32> to vector<512x512xf32>
    %add3A_96 = arith.addf %add3A_95, %broadcast_in_dim3A_94 : vector<512x512xf32>
    %jit3A_97 = arith.constant 0.000000e+00 : f32
    %broadcast_in_dim3A_98 = vector.broadcast %jit3A_97 : f32 to vector<512x512xf32>
    %select_n3A_99 = arith.select %eq3A, %add3A_96, %broadcast_in_dim3A_98 : vector<512x512xi1>, vector<512x512xf32>
    %reduce_sum3A_100 = arith.constant dense<0.000000e+00> : vector<512xf32>
    %reduce_sum3A_101 = vector.multi_reduction <add>, %select_n3A_99, %reduce_sum3A_100 [0] : vector<512x512xf32> to vector<512xf32>
    %broadcast_in_dim3A_102 = vector.shape_cast %reduce_sum3A_101 : vector<512xf32> to vector<1x512xf32>
    %add3A_103 = arith.constant 1.000000e+00 : f32
    %add3A_104 = vector.broadcast %add3A_103 : f32 to vector<1x512xf32>
    %add3A_105 = arith.addf %broadcast_in_dim3A_102, %add3A_104 : vector<1x512xf32>
    %broadcast_in_dim3A_106 = arith.constant 0.000000e+00 : f32
    %broadcast_in_dim3A_107 = vector.broadcast %broadcast_in_dim3A_106 : f32 to vector<512x512xf32>
    %add3A_108 = vector.broadcast %select_n3A_77 : vector<512x1xf32> to vector<512x512xf32>
    %add3A_109 = arith.addf %add3A_108, %broadcast_in_dim3A_107 : vector<512x512xf32>
    %jit3A_110 = arith.constant 0.000000e+00 : f32
    %broadcast_in_dim3A_111 = vector.broadcast %jit3A_110 : f32 to vector<512x512xf32>
    %select_n3A_112 = arith.select %eq3A, %add3A_109, %broadcast_in_dim3A_111 : vector<512x512xi1>, vector<512x512xf32>
    %reduce_sum3A_113 = arith.constant dense<0.000000e+00> : vector<512xf32>
    %reduce_sum3A_114 = vector.multi_reduction <add>, %select_n3A_112, %reduce_sum3A_113 [0] : vector<512x512xf32> to vector<512xf32>
    %broadcast_in_dim3A_115 = vector.shape_cast %reduce_sum3A_114 : vector<512xf32> to vector<1x512xf32>
    %add3A_116 = arith.constant 1.000000e+00 : f32
    %add3A_117 = vector.broadcast %add3A_116 : f32 to vector<1x512xf32>
    %add3A_118 = arith.addf %broadcast_in_dim3A_115, %add3A_117 : vector<1x512xf32>
    %broadcast_in_dim3A_119 = arith.constant 0.000000e+00 : f32
    %broadcast_in_dim3A_120 = vector.broadcast %broadcast_in_dim3A_119 : f32 to vector<512x512xf32>
    %add3A_121 = vector.broadcast %convert_element_type3A_42 : vector<512x1xf32> to vector<512x512xf32>
    %add3A_122 = arith.addf %add3A_121, %broadcast_in_dim3A_120 : vector<512x512xf32>
    %jit3A_123 = arith.constant 0.000000e+00 : f32
    %broadcast_in_dim3A_124 = vector.broadcast %jit3A_123 : f32 to vector<512x512xf32>
    %select_n3A_125 = arith.select %eq3A, %add3A_122, %broadcast_in_dim3A_124 : vector<512x512xi1>, vector<512x512xf32>
    %reduce_sum3A_126 = arith.constant dense<0.000000e+00> : vector<512xf32>
    %reduce_sum3A_127 = vector.multi_reduction <add>, %select_n3A_125, %reduce_sum3A_126 [0] : vector<512x512xf32> to vector<512xf32>
    %broadcast_in_dim3A_128 = vector.shape_cast %reduce_sum3A_127 : vector<512xf32> to vector<1x512xf32>
    %concatenate3A = tpu.concatenate %add3A_92, %add3A_105, %add3A_118, %broadcast_in_dim3A_128, %broadcast_in_dim3A_79 in 0 : vector<1x512xf32>, vector<1x512xf32>, vector<1x512xf32>, vector<1x512xf32>, vector<4x512xf32> -> vector<8x512xf32>
    %swap3A_129 = arith.constant 0 : index
    %swap3A_130 = arith.constant 0 : index
    %swap3A_131 = vector.load %arg4[%swap3A_129, %swap3A_130] : memref<8x512xf32, #tpu.memory_space<vmem>>, vector<8x512xf32>
    tpu.vector_store %arg4[%swap3A_129, %swap3A_130], %concatenate3A {strides = array<i32>} : memref<8x512xf32, #tpu.memory_space<vmem>>, vector<8x512xf32>,
    return
  }
}

module attributes {stable_mosaic.version = 14 : i64} {
  func.func @_final_kernel(%arg0: memref<512x512xf32, #tpu.memory_space<vmem>>, %arg1: memref<8x512xf32, #tpu.memory_space<vmem>>, %arg2: memref<512x1xf32, #tpu.memory_space<vmem>>, %arg3: memref<1x1xf32, #tpu.memory_space<vmem>>) attributes {dimension_semantics = [], scalar_prefetch = 0 : i64, scratch_operands = 0 : i64, tpu.core_type = #tpu.core_type<tc>} {
    %get3A = arith.constant 0 : index
    %get3A_0 = arith.constant 0 : index
    %get3A_1 = vector.load %arg0[%get3A, %get3A_0] : memref<512x512xf32, #tpu.memory_space<vmem>>, vector<512x512xf32>
    %get3A_2 = arith.constant 0 : index
    %get3A_3 = arith.constant 0 : index
    %get3A_4 = vector.load %arg2[%get3A_2, %get3A_3] : memref<512x1xf32, #tpu.memory_space<vmem>>, vector<512x1xf32>
    %get3A_5 = arith.constant 3 : index
    %get3A_6 = arith.constant 0 : index
    %get3A_7 = vector.load %arg1[%get3A_5, %get3A_6] : memref<8x512xf32, #tpu.memory_space<vmem>>, vector<1x512xf32>
    %le3A = vector.broadcast %get3A_4 : vector<512x1xf32> to vector<512x512xf32>
    %le3A_8 = arith.cmpf ole, %get3A_1, %le3A : vector<512x512xf32>
    %lt3A = arith.constant 0x7F800000 : f32
    %lt3A_9 = vector.broadcast %lt3A : f32 to vector<512x512xf32>
    %lt3A_10 = arith.cmpf olt, %get3A_1, %lt3A_9 : vector<512x512xf32>
    %and3A = arith.andi %le3A_8, %lt3A_10 : vector<512x512xi1>
    %gt3A = arith.constant 5.000000e-01 : f32
    %gt3A_11 = vector.broadcast %gt3A : f32 to vector<1x512xf32>
    %gt3A_12 = arith.cmpf ogt, %get3A_7, %gt3A_11 : vector<1x512xf32>
    %and3A_13 = vector.broadcast %gt3A_12 : vector<1x512xi1> to vector<512x512xi1>
    %and3A_14 = arith.andi %and3A, %and3A_13 : vector<512x512xi1>
    %convert_element_type3A = arith.extui %and3A_14 : vector<512x512xi1> to vector<512x512xi32>
    %convert_element_type3A_15 = arith.sitofp %convert_element_type3A : vector<512x512xi32> to vector<512x512xf32>
    %get3A_16 = arith.constant 0 : index
    %get3A_17 = arith.constant 0 : index
    %get3A_18 = vector.load %arg1[%get3A_16, %get3A_17] : memref<8x512xf32, #tpu.memory_space<vmem>>, vector<1x512xf32>
    %neg3A = arith.constant 0.000000e+00 : f32
    %neg3A_19 = arith.constant 0x7F800000 : f32
    %neg3A_20 = arith.subf %neg3A, %neg3A_19 : f32
    %gt3A_21 = vector.broadcast %neg3A_20 : f32 to vector<1x512xf32>
    %gt3A_22 = arith.cmpf ogt, %get3A_18, %gt3A_21 : vector<1x512xf32>
    %jit3A = arith.constant 0.000000e+00 : f32
    %broadcast_in_dim3A = vector.broadcast %jit3A : f32 to vector<1x512xf32>
    %select_n3A = arith.select %gt3A_22, %get3A_18, %broadcast_in_dim3A : vector<1x512xi1>, vector<1x512xf32>
    %sub3A = vector.broadcast %select_n3A : vector<1x512xf32> to vector<512x512xf32>
    %sub3A_23 = arith.subf %sub3A, %get3A_1 : vector<512x512xf32>
    %max3A = arith.constant 0.000000e+00 : f32
    %max3A_24 = vector.broadcast %max3A : f32 to vector<512x512xf32>
    %max3A_25 = arith.maximumf %sub3A_23, %max3A_24 : vector<512x512xf32>
    %neg3A_26 = arith.constant 0.000000e+00 : f32
    %neg3A_27 = arith.constant 0x7F800000 : f32
    %neg3A_28 = arith.subf %neg3A_26, %neg3A_27 : f32
    %gt3A_29 = vector.broadcast %neg3A_28 : f32 to vector<1x512xf32>
    %gt3A_30 = arith.cmpf ogt, %get3A_18, %gt3A_29 : vector<1x512xf32>
    %jit3A_31 = arith.constant 1.000000e+00 : f32
    %jit3A_32 = arith.constant 0.000000e+00 : f32
    %broadcast_in_dim3A_33 = vector.broadcast %jit3A_31 : f32 to vector<1x512xf32>
    %broadcast_in_dim3A_34 = vector.broadcast %jit3A_32 : f32 to vector<1x512xf32>
    %select_n3A_35 = arith.select %gt3A_30, %broadcast_in_dim3A_33, %broadcast_in_dim3A_34 : vector<1x512xi1>, vector<1x512xf32>
    %mul3A = vector.broadcast %select_n3A_35 : vector<1x512xf32> to vector<512x512xf32>
    %mul3A_36 = arith.mulf %convert_element_type3A_15, %mul3A : vector<512x512xf32>
    %mul3A_37 = arith.mulf %mul3A_36, %max3A_25 : vector<512x512xf32>
    %reduce_sum3A = vector.shape_cast %mul3A_37 : vector<512x512xf32> to vector<1x512x512xf32>
    %reduce_sum3A_38 = arith.constant dense<0.000000e+00> : vector<1xf32>
    %reduce_sum3A_39 = vector.multi_reduction <add>, %reduce_sum3A, %reduce_sum3A_38 [1, 2] : vector<1x512x512xf32> to vector<1xf32>
    %reduce_sum3A_40 = vector.shape_cast %reduce_sum3A_39 : vector<1xf32> to vector<1x1x1xf32>
    %reduce_sum3A_41 = vector.extract %reduce_sum3A_40[0, 0, 0] : f32 from vector<1x1x1xf32>
    %add3A = arith.constant 0.000000e+00 : f32
    %add3A_42 = arith.addf %add3A, %reduce_sum3A_41 : f32
    %gt3A_43 = arith.constant 1.000000e-07 : f32
    %gt3A_44 = vector.broadcast %gt3A_43 : f32 to vector<512x512xf32>
    %gt3A_45 = arith.cmpf ogt, %max3A_25, %gt3A_44 : vector<512x512xf32>
    %convert_element_type3A_46 = arith.extui %gt3A_45 : vector<512x512xi1> to vector<512x512xi32>
    %convert_element_type3A_47 = arith.sitofp %convert_element_type3A_46 : vector<512x512xi32> to vector<512x512xf32>
    %mul3A_48 = arith.mulf %mul3A_36, %convert_element_type3A_47 : vector<512x512xf32>
    %reduce_sum3A_49 = vector.shape_cast %mul3A_48 : vector<512x512xf32> to vector<1x512x512xf32>
    %reduce_sum3A_50 = arith.constant dense<0.000000e+00> : vector<1xf32>
    %reduce_sum3A_51 = vector.multi_reduction <add>, %reduce_sum3A_49, %reduce_sum3A_50 [1, 2] : vector<1x512x512xf32> to vector<1xf32>
    %reduce_sum3A_52 = vector.shape_cast %reduce_sum3A_51 : vector<1xf32> to vector<1x1x1xf32>
    %reduce_sum3A_53 = vector.extract %reduce_sum3A_52[0, 0, 0] : f32 from vector<1x1x1xf32>
    %add3A_54 = arith.constant 0.000000e+00 : f32
    %add3A_55 = arith.addf %add3A_54, %reduce_sum3A_53 : f32
    %get3A_56 = arith.constant 1 : index
    %get3A_57 = arith.constant 0 : index
    %get3A_58 = vector.load %arg1[%get3A_56, %get3A_57] : memref<8x512xf32, #tpu.memory_space<vmem>>, vector<1x512xf32>
    %neg3A_59 = arith.constant 0.000000e+00 : f32
    %neg3A_60 = arith.constant 0x7F800000 : f32
    %neg3A_61 = arith.subf %neg3A_59, %neg3A_60 : f32
    %gt3A_62 = vector.broadcast %neg3A_61 : f32 to vector<1x512xf32>
    %gt3A_63 = arith.cmpf ogt, %get3A_58, %gt3A_62 : vector<1x512xf32>
    %jit3A_64 = arith.constant 0.000000e+00 : f32
    %broadcast_in_dim3A_65 = vector.broadcast %jit3A_64 : f32 to vector<1x512xf32>
    %select_n3A_66 = arith.select %gt3A_63, %get3A_58, %broadcast_in_dim3A_65 : vector<1x512xi1>, vector<1x512xf32>
    %sub3A_67 = vector.broadcast %select_n3A_66 : vector<1x512xf32> to vector<512x512xf32>
    %sub3A_68 = arith.subf %sub3A_67, %get3A_1 : vector<512x512xf32>
    %max3A_69 = arith.constant 0.000000e+00 : f32
    %max3A_70 = vector.broadcast %max3A_69 : f32 to vector<512x512xf32>
    %max3A_71 = arith.maximumf %sub3A_68, %max3A_70 : vector<512x512xf32>
    %neg3A_72 = arith.constant 0.000000e+00 : f32
    %neg3A_73 = arith.constant 0x7F800000 : f32
    %neg3A_74 = arith.subf %neg3A_72, %neg3A_73 : f32
    %gt3A_75 = vector.broadcast %neg3A_74 : f32 to vector<1x512xf32>
    %gt3A_76 = arith.cmpf ogt, %get3A_58, %gt3A_75 : vector<1x512xf32>
    %jit3A_77 = arith.constant 1.000000e+00 : f32
    %jit3A_78 = arith.constant 0.000000e+00 : f32
    %broadcast_in_dim3A_79 = vector.broadcast %jit3A_77 : f32 to vector<1x512xf32>
    %broadcast_in_dim3A_80 = vector.broadcast %jit3A_78 : f32 to vector<1x512xf32>
    %select_n3A_81 = arith.select %gt3A_76, %broadcast_in_dim3A_79, %broadcast_in_dim3A_80 : vector<1x512xi1>, vector<1x512xf32>
    %mul3A_82 = vector.broadcast %select_n3A_81 : vector<1x512xf32> to vector<512x512xf32>
    %mul3A_83 = arith.mulf %convert_element_type3A_15, %mul3A_82 : vector<512x512xf32>
    %mul3A_84 = arith.mulf %mul3A_83, %max3A_71 : vector<512x512xf32>
    %reduce_sum3A_85 = vector.shape_cast %mul3A_84 : vector<512x512xf32> to vector<1x512x512xf32>
    %reduce_sum3A_86 = arith.constant dense<0.000000e+00> : vector<1xf32>
    %reduce_sum3A_87 = vector.multi_reduction <add>, %reduce_sum3A_85, %reduce_sum3A_86 [1, 2] : vector<1x512x512xf32> to vector<1xf32>
    %reduce_sum3A_88 = vector.shape_cast %reduce_sum3A_87 : vector<1xf32> to vector<1x1x1xf32>
    %reduce_sum3A_89 = vector.extract %reduce_sum3A_88[0, 0, 0] : f32 from vector<1x1x1xf32>
    %add3A_90 = arith.addf %add3A_42, %reduce_sum3A_89 : f32
    %gt3A_91 = arith.constant 1.000000e-07 : f32
    %gt3A_92 = vector.broadcast %gt3A_91 : f32 to vector<512x512xf32>
    %gt3A_93 = arith.cmpf ogt, %max3A_71, %gt3A_92 : vector<512x512xf32>
    %convert_element_type3A_94 = arith.extui %gt3A_93 : vector<512x512xi1> to vector<512x512xi32>
    %convert_element_type3A_95 = arith.sitofp %convert_element_type3A_94 : vector<512x512xi32> to vector<512x512xf32>
    %mul3A_96 = arith.mulf %mul3A_83, %convert_element_type3A_95 : vector<512x512xf32>
    %reduce_sum3A_97 = vector.shape_cast %mul3A_96 : vector<512x512xf32> to vector<1x512x512xf32>
    %reduce_sum3A_98 = arith.constant dense<0.000000e+00> : vector<1xf32>
    %reduce_sum3A_99 = vector.multi_reduction <add>, %reduce_sum3A_97, %reduce_sum3A_98 [1, 2] : vector<1x512x512xf32> to vector<1xf32>
    %reduce_sum3A_100 = vector.shape_cast %reduce_sum3A_99 : vector<1xf32> to vector<1x1x1xf32>
    %reduce_sum3A_101 = vector.extract %reduce_sum3A_100[0, 0, 0] : f32 from vector<1x1x1xf32>
    %add3A_102 = arith.addf %add3A_55, %reduce_sum3A_101 : f32
    %get3A_103 = arith.constant 2 : index
    %get3A_104 = arith.constant 0 : index
    %get3A_105 = vector.load %arg1[%get3A_103, %get3A_104] : memref<8x512xf32, #tpu.memory_space<vmem>>, vector<1x512xf32>
    %neg3A_106 = arith.constant 0.000000e+00 : f32
    %neg3A_107 = arith.constant 0x7F800000 : f32
    %neg3A_108 = arith.subf %neg3A_106, %neg3A_107 : f32
    %gt3A_109 = vector.broadcast %neg3A_108 : f32 to vector<1x512xf32>
    %gt3A_110 = arith.cmpf ogt, %get3A_105, %gt3A_109 : vector<1x512xf32>
    %jit3A_111 = arith.constant 0.000000e+00 : f32
    %broadcast_in_dim3A_112 = vector.broadcast %jit3A_111 : f32 to vector<1x512xf32>
    %select_n3A_113 = arith.select %gt3A_110, %get3A_105, %broadcast_in_dim3A_112 : vector<1x512xi1>, vector<1x512xf32>
    %sub3A_114 = vector.broadcast %select_n3A_113 : vector<1x512xf32> to vector<512x512xf32>
    %sub3A_115 = arith.subf %sub3A_114, %get3A_1 : vector<512x512xf32>
    %max3A_116 = arith.constant 0.000000e+00 : f32
    %max3A_117 = vector.broadcast %max3A_116 : f32 to vector<512x512xf32>
    %max3A_118 = arith.maximumf %sub3A_115, %max3A_117 : vector<512x512xf32>
    %neg3A_119 = arith.constant 0.000000e+00 : f32
    %neg3A_120 = arith.constant 0x7F800000 : f32
    %neg3A_121 = arith.subf %neg3A_119, %neg3A_120 : f32
    %gt3A_122 = vector.broadcast %neg3A_121 : f32 to vector<1x512xf32>
    %gt3A_123 = arith.cmpf ogt, %get3A_105, %gt3A_122 : vector<1x512xf32>
    %jit3A_124 = arith.constant 1.000000e+00 : f32
    %jit3A_125 = arith.constant 0.000000e+00 : f32
    %broadcast_in_dim3A_126 = vector.broadcast %jit3A_124 : f32 to vector<1x512xf32>
    %broadcast_in_dim3A_127 = vector.broadcast %jit3A_125 : f32 to vector<1x512xf32>
    %select_n3A_128 = arith.select %gt3A_123, %broadcast_in_dim3A_126, %broadcast_in_dim3A_127 : vector<1x512xi1>, vector<1x512xf32>
    %mul3A_129 = vector.broadcast %select_n3A_128 : vector<1x512xf32> to vector<512x512xf32>
    %mul3A_130 = arith.mulf %convert_element_type3A_15, %mul3A_129 : vector<512x512xf32>
    %mul3A_131 = arith.mulf %mul3A_130, %max3A_118 : vector<512x512xf32>
    %reduce_sum3A_132 = vector.shape_cast %mul3A_131 : vector<512x512xf32> to vector<1x512x512xf32>
    %reduce_sum3A_133 = arith.constant dense<0.000000e+00> : vector<1xf32>
    %reduce_sum3A_134 = vector.multi_reduction <add>, %reduce_sum3A_132, %reduce_sum3A_133 [1, 2] : vector<1x512x512xf32> to vector<1xf32>
    %reduce_sum3A_135 = vector.shape_cast %reduce_sum3A_134 : vector<1xf32> to vector<1x1x1xf32>
    %reduce_sum3A_136 = vector.extract %reduce_sum3A_135[0, 0, 0] : f32 from vector<1x1x1xf32>
    %add3A_137 = arith.addf %add3A_90, %reduce_sum3A_136 : f32
    %gt3A_138 = arith.constant 1.000000e-07 : f32
    %gt3A_139 = vector.broadcast %gt3A_138 : f32 to vector<512x512xf32>
    %gt3A_140 = arith.cmpf ogt, %max3A_118, %gt3A_139 : vector<512x512xf32>
    %convert_element_type3A_141 = arith.extui %gt3A_140 : vector<512x512xi1> to vector<512x512xi32>
    %convert_element_type3A_142 = arith.sitofp %convert_element_type3A_141 : vector<512x512xi32> to vector<512x512xf32>
    %mul3A_143 = arith.mulf %mul3A_130, %convert_element_type3A_142 : vector<512x512xf32>
    %reduce_sum3A_144 = vector.shape_cast %mul3A_143 : vector<512x512xf32> to vector<1x512x512xf32>
    %reduce_sum3A_145 = arith.constant dense<0.000000e+00> : vector<1xf32>
    %reduce_sum3A_146 = vector.multi_reduction <add>, %reduce_sum3A_144, %reduce_sum3A_145 [1, 2] : vector<1x512x512xf32> to vector<1xf32>
    %reduce_sum3A_147 = vector.shape_cast %reduce_sum3A_146 : vector<1xf32> to vector<1x1x1xf32>
    %reduce_sum3A_148 = vector.extract %reduce_sum3A_147[0, 0, 0] : f32 from vector<1x1x1xf32>
    %add3A_149 = arith.addf %add3A_102, %reduce_sum3A_148 : f32
    %add3A_150 = arith.constant 1.000000e-07 : f32
    %add3A_151 = arith.addf %add3A_149, %add3A_150 : f32
    %div3A = arith.divf %add3A_137, %add3A_151 : f32
    %reshape3A = vector.broadcast %div3A : f32 to vector<1x1xf32>
    %swap3A = arith.constant 0 : index
    %swap3A_152 = arith.constant 0 : index
    %swap3A_153 = vector.load %arg3[%swap3A, %swap3A_152] : memref<1x1xf32, #tpu.memory_space<vmem>>, vector<1x1xf32>
    tpu.vector_store %arg3[%swap3A, %swap3A_152], %reshape3A {strides = array<i32>} : memref<1x1xf32, #tpu.memory_space<vmem>>, vector<1x1xf32>,
    return
  }
}

</mosaic_0001>

<sc_bundles>
// kernel: kernel.5.cloned.1.call-start
scs
__scs_entry_jumppad:
0x0: {  	(pc) =	sbr.rel $0x88, $3  }
0x1: {  	(tag) =	ssettag $0x0;
	lr =	simm.s32 $0x1  }
0x2: {  	[smem:$0x3F9F] =	sst lr;
	_ =	strace $0xD0000000  }
0x3: {  	_ = 	snop  }
0x4: {  	_ = 	snop  }
0x5: {  	_ = 	snop  }
0x6: {  	_ = 	snop  }
0x7: {  	_ = 	snop  }
__scs_overlays_trampoline_lowered:
0x8: {  	[smem:$0x3FAE] =	sst s0  }
0x9: {  	[smem:$0x3FAF] =	sst s1  }
0xa: {  	[smem:$0x3FB0] =	sst s2  }
0xb: {  	[smem:$0x3FB1] =	sst s3  }
0xc: {  	[smem:$0x3FB2] =	sst s4  }
0xd: {  	[smem:$0x3FB3] =	sst s5  }
0xe: {  	[smem:$0x3FB4] =	sst s6  }
0xf: {  	[smem:$0x3FB5] =	sst s7  }
0x10: {  	[smem:$0x3FB6] =	sst s8  }
0x11: {  	[smem:$0x3FB7] =	sst s9;
	s0 =	simm.s32 @!p0 $0x0  }
0x12: {  	s1 =	sld [smem:$0x3F9D];
	s0 =	simm.s32 @p0 $0x1  }
0x13: {  	[smem:$0x3FB8] =	sst s0;
	s0 =	simm.s32 @!p1 $0x0  }
0x14: {  	s2 =	sld [smem:$0x3F9C];
	s0 =	simm.s32 @p1 $0x1  }
0x15: {  	[smem:$0x3FB9] =	sst s0;
	s0 =	simm.s32 @!p2 $0x0  }
0x16: {  	s3 =	sld [smem:$0x3FDB];
	s0 =	simm.s32 @p2 $0x1  }
0x17: {  	s4 =	simm.s32 $0x1BF5;
	[smem:$0x3FBB] =	sst s0  }
0x18: {  	s0 =	sld [smem:$0x3F9E];
	_ =	swait.ge [sflag:s4], $0x0  }
0x19: {  	s7 =	sld [smem:$0x3F9F]  }
0x1a: {  	s8 =	sadd.s32 $0xFFFFE003, lr  }
0x1b: {  	s9 =	sadd.s32 $0xFFFFFEF7, lr;
	s5 =	simm.s32 $0xFFFFFFFF;
	p2 =	slt.u32 s8, $0xFFFFF086  }
0x1c: {  	p1 =	slt.u32 s9, $0xF7A;
	s5 =	simm.s32 @!p2 $0x0  }
0x1d: {  	s5 =	simm.s32 @p1 $0x1;
	p0 =	seq.s32 s7, s2  }
0x1e: {  	s7 =	smul.u32 @!p0 $0xF7A, s2;
	p2 =	seq.s32 @!p0 s5, $0x0  }
0x1f: {  	s9 =	smul.u32 $0xF7A, s1;
	s8 =	simm.s32 @!p0 $0x1BF5;
	p2 =	por !p2, p0  }
0x20: {  	[sflag:s8] =	ssyncset.s32 @!p0 $0xFFFFF086;
	s6 =	sadd.s32 @!p0 s3, s7;
	s7 =	simm.s32 @!p0 $0x108  }
0x21: {  	s3 =	sadd.s32 s3, s9;
	s6 =	sadd.s32 @!p0 $0x88, s6;
	s7 =	simm.s32 @p2 $0x1082  }
0x22: {  	[simem:s7], [sflag:s8] =	dma.local @!p0 [hbm:s6], $0xF7A  }
0x23: {  	s9 =	sor.u32 $0xD0000000, s2;
	s6 =	simm.s32 $0x108;
	_ =	swait.ge @!p0 [sflag:s8], $0x0  }
0x24: {  	s3 =	sadd.s32 $0x88, s3;
	s6 =	simm.s32 @!p1 $0x1082;
	[sflag:s4] =	ssyncset.s32 $0xFFFFF086  }
0x25: {  	[simem:s6], [sflag:s4] =	dma.local [hbm:s3], $0xF7A  }
0x26: {  	[smem:$0x3F9F] =	sst s1;
	(tag) =	ssettag s2;
	_ =	strace s9  }
0x27: {  	s1 =	sld [smem:$0x3FAF]  }
0x28: {  	s2 =	sld [smem:$0x3FB0]  }
0x29: {  	s4 =	sld [smem:$0x3FB2]  }
0x2a: {  	p0 =	seq.s32 s5, $0x0;
	s5 =	sld [smem:$0x3FB3]  }
0x2b: {  	s6 =	sld [smem:$0x3FB4]  }
0x2c: {  	s7 =	sld [smem:$0x3FB5]  }
0x2d: {  	s3 =	simm.s32 $0x108;
	s8 =	sld [smem:$0x3FB6]  }
0x2e: {  	s3 =	simm.s32 @!p0 $0x1082;
	s9 =	sld [smem:$0x3FB7]  }
0x2f: {  	lr =	sadd.s32 s0, s3;
	s0 =	sld [smem:$0x3FAE]  }
0x30: {  	s3 =	sld [smem:$0x3FB1]  }
0x31: {  	[smem:$0x3FBA] =	sst s10  }
0x32: {  	s10 =	sld [smem:$0x3FB8];
	_ =	sdelay $0x3  }
0x33: {  	p0 =	seq.s32 s10, $0x1;
	s10 =	sld [smem:$0x3FBA];
	_ =	sdelay $0x3  }
0x34: {  	[smem:$0x3FBA] =	sst s10  }
0x35: {  	s10 =	sld [smem:$0x3FB9];
	_ =	sdelay $0x3  }
0x36: {  	p1 =	seq.s32 s10, $0x1;
	s10 =	sld [smem:$0x3FBA];
	_ =	sdelay $0x3  }
0x37: {  	[smem:$0x3FBA] =	sst s10  }
0x38: {  	s10 =	sld [smem:$0x3FBB]  }
0x39: {  	_ = 	snop;
	(pc) =	sbr.ind lr, $3  }
0x3a: {  	_ = 	snop  }
0x3b: {  	_ = 	snop  }
0x3c: {  	p2 =	seq.s32 s10, $0x1;
	s10 =	sld [smem:$0x3FBA]  }
0x3d: {  	_ =	shalt  }
0x3e: {  	_ =	shalt  }
0x3f: {  	_ =	shalt  }
0x40: {  	_ =	shalt  }
0x41: {  	_ =	shalt  }
0x42: {  	_ =	shalt  }
0x43: {  	_ =	shalt  }
0x44: {  	_ =	shalt  }
0x45: {  	_ =	shalt  }
0x46: {  	_ =	shalt  }
0x47: {  	_ =	shalt  }
0x48: {  	_ =	shalt  }
0x49: {  	_ =	shalt  }
0x4a: {  	_ =	shalt  }
0x4b: {  	_ =	shalt  }
0x4c: {  	_ =	shalt  }
0x4d: {  	_ =	shalt  }
0x4e: {  	_ =	shalt  }
0x4f: {  	_ =	shalt  }
0x50: {  	_ =	shalt  }
0x51: {  	_ =	shalt  }
0x52: {  	_ =	shalt  }
0x53: {  	_ =	shalt  }
0x54: {  	_ =	shalt  }
0x55: {  	_ =	shalt  }
0x56: {  	_ =	shalt  }
0x57: {  	_ =	shalt  }
0x58: {  	_ =	shalt  }
0x59: {  	_ =	shalt  }
0x5a: {  	_ =	shalt  }
0x5b: {  	_ =	shalt  }
0x5c: {  	_ =	shalt  }
0x5d: {  	_ =	shalt  }
0x5e: {  	_ =	shalt  }
0x5f: {  	_ =	shalt  }
0x60: {  	_ =	shalt  }
0x61: {  	_ =	shalt  }
0x62: {  	_ =	shalt  }
0x63: {  	_ =	shalt  }
0x64: {  	_ =	shalt  }
0x65: {  	_ =	shalt  }
0x66: {  	_ =	shalt  }
0x67: {  	_ =	shalt  }
0x68: {  	_ =	shalt  }
0x69: {  	_ =	shalt  }
0x6a: {  	_ =	shalt  }
0x6b: {  	_ =	shalt  }
0x6c: {  	_ =	shalt  }
0x6d: {  	_ =	shalt  }
0x6e: {  	_ =	shalt  }
0x6f: {  	_ =	shalt  }
0x70: {  	_ =	shalt  }
0x71: {  	_ =	shalt  }
0x72: {  	_ =	shalt  }
0x73: {  	_ =	shalt  }
0x74: {  	_ =	shalt  }
0x75: {  	_ =	shalt  }
0x76: {  	_ =	shalt  }
0x77: {  	_ =	shalt  }
0x78: {  	_ =	shalt  }
0x79: {  	_ =	shalt  }
0x7a: {  	_ =	shalt  }
0x7b: {  	_ =	shalt  }
0x7c: {  	_ =	shalt  }
0x7d: {  	_ =	shalt  }
0x7e: {  	_ =	shalt  }
0x7f: {  	_ =	shalt  }
0x80: {  	_ =	shalt  }
0x81: {  	_ =	shalt  }
0x82: {  	_ =	shalt  }
0x83: {  	_ =	shalt  }
0x84: {  	_ =	shalt  }
0x85: {  	_ =	shalt  }
0x86: {  	_ =	shalt  }
0x87: {  	_ =	shalt  }
.Lfunc_end0:
.L_simem_size_0:
called_computation_lowered:
.L_overlay_start_0:
0x88: {  	s2 =	sld [smem:$0x3FD9]  }
0x89: {  	s3 =	sld [smem:$0x3FFE];
	_ =	sdelay $0x1  }
0x8a: {  	s1 =	srdreg.scid  }
0x8b: {  	s0 =	sand.u32 $0x1, s1  }
0x8c: {  	s16 =	sshll.u32 s0, $0xA;
	s2 =	sadd.s32 s3, s2  }
0x8d: {  	s2 =	sadd.s32 s2, s16  }
0x8e: {  	[smem:$0x3FC6] =	sst s2  }
0x8f: {  	_ = 	snop  }
0x90: {  	(tm) =	ssettm $0x1  }
0x91: {  	s17 =	sld [smem:$0x3FFB];
	_ =	sdelay $0x3  }
0x92: {  	_ =	strace s17  }
0x93: {  	s2 =	sld [smem:$0x3FFC];
	_ =	sdelay $0x3  }
0x94: {  	_ =	strace s2  }
0x95: {  	s2 =	sld [smem:$0x3FFD];
	_ =	sdelay $0x3  }
0x96: {  	_ =	strace s2  }
0x97: {  	_ =	strace $0x8FFFFFFF  }
0x98: {  	s18 =	sld [smem:$0x3FDB];
	_ =	sdelay $0x1  }
0x99: {  	s19 =	simm.s32 $_scs_section_size  }
0x9a: {  	s4 =	simm.s32 $_size__tile_overlayer_lowered;
	s5 =	simm.s32 $_tile_overlayer_lowered  }
0x9b: {  	s22 =	simm.s32 $0x1BFF;
	s21 =	sshll.u32 s5, $0x1;
	s2 =	sadd.s32 s19, s18  }
0x9c: {  	s6 =	simm.s32 $0x0;
	s20 =	sshll.u32 s4, $0x1;
	s4 =	sadd.s32 s21, s2  }
0x9d: {  	[timem:s6], [sflag:s22] =	dma.local [hbm:s4], s20  }
0x9e: {  	_ =	swait.ge [sflag:s22], s20  }
0x9f: {  	s3 =	ssub.s32 $0x0, s20;
	[sflag:s22] =	ssyncset.done $0x0  }
0xa0: {  	[sflag:s22] =	ssyncadd.s32 s3;
	_ =	sdelay $0x1  }
0xa1: {  	s23 =	simm.s32 $0x1B8B  }
0xa2: {  	_ =	swait.ge [sflag:s23], $0x1  }
0xa3: {  	[sflag:s23] =	ssyncset.done $0x0  }
0xa4: {  	s25 =	simm.s32 $0x1B8E;
	s24 =	sld [smem:$0x3FFE];
	[sflag:s23] =	ssyncadd.s32 $0xFFFFFFFF  }
0xa5: {  	s26 =	simm.s32 $execute0_lowered;
	[smem:$0x3FD2] =	sst s25  }
0xa6: {  	s4 =	sshll.u32 s26, $0x1;
	_ =	strace $0x80000046;
	[dreg:$0x1] =	wrdreg $0xFFFFFFFF  }
0xa7: {  	s28 =	simm.s32 $_size_execute0_lowered;
	s2 =	sadd.s32 s2, s4;
	[dreg:$0x0] =	wrdreg $0x0  }
0xa8: {  	s4 =	sshll.u32 s28, $0x1;
	[dreg:$0x2] =	wrdreg s2  }
0xa9: {  	[dreg:$0x3] =	wrdreg s4  }
0xaa: {  	[dreg:$0x4] =	wrdreg $0xC0  }
0xab: {  	_ =	task [dreg:s6], $0x5FFFF  }
0xac: {  	[dreg:$0x1] =	wrdreg $0xFFFFFFFF  }
0xad: {  	[dreg:$0x0] =	wrdreg $0x60  }
0xae: {  	[dreg:$0x2] =	wrdreg s24  }
0xaf: {  	[dreg:$0x3] =	wrdreg $0x9  }
0xb0: {  	_ =	task.clear_ibuf [dreg:s6], $0x4FFFF;
	_ =	strace $0x90000046  }
0xb1: {  	s29 =	simm.s32 $0x9;
	_ =	strace $0x80000048  }
0xb2: {  	_ =	swait.ge [sflag:s29], $0x1  }
0xb3: {  	[sflag:s29] =	ssyncadd.s32 $0xFFFFFFFF  }
0xb4: {  	_ =	strace $0x90000048  }
0xb5: {  	_ =	sfence  }
0xb6: {  	s30 =	sld [smem:$0x0];
	_ =	sdelay $0x2  }
0xb7: {  	s31 =	sshll.u32 s1, $0xD;
	s1 =	sshrl.u32 s1, $0x2  }
0xb8: {  	s3 =	sand.u32 $0x4000, s31;
	s1 =	sadd.s32 s1, s30  }
0xb9: {  	s0 =	sor.u32 s3, s0;
	s1 =	sshll.u32 s1, $0x11  }
0xba: {  	s0 =	sor.u32 s1, s0  }
0xbb: {  	s0 =	sadd.s32 $0x8F2B, s0  }
0xbc: {  	[sflag:s0] =	ssyncadd.remote.s32 $0x1  }
0xbd: {  	_ =	sfence.sel $0xFFFF  }
0xbe: {  	[dreg:$0x0] =	wrdreg $0xFFFFFFFF;
	(pc) =	sbr.abs _section_cstart, $3  }
0xbf: {  	[dreg:$0x1] =	wrdreg $0xFFFFFFFF  }
0xc0: {  	_ =	task.clear_ibuf [dreg:s6], $0x2FFFF;
	_ =	strace $0x9FFFFFFF  }
0xc1: {  	(tm) =	ssettm $0x7FFFFFFF  }
tec
execute0_lowered:
.L_overlay_start_1:
0x0: {  	(tag) =	ssettag $0x1  }
0x1: {  	s3 =	rddreg [dreg:$0x0]  }
0x2: {  	s0 =	rddreg [dreg:$0x1]  }
0x3: {  	s2 =	simm.s32 $0x0;
	s4 =	srdreg.scid;
	s1 =	stileid.u32  }
0x4: {  	[smem:$0x7FF] =	sst s2;
	s4 =	sand.u32 $0x1, s4;
	s5 =	sshll.u32 s1, $0x1  }
0x5: {  	s8 =	simm.s32 $0x0;
	_ =	strace $0x80000047;
	s5 =	sor.u32 s4, s5  }
0x6: {  	v0 =	vlaneseq.u32;
	s4 =	ssub.s32 $0x2, s4;
	s6 =	sshll.u32 s5, $0xA;
	s5 =	sshll.u32 s5, $0x4  }
0x7: {  	v1 =	vmul.u32 $0xFFFFFFFF, v0;
	s7 =	sshrl.u32 s4, $0x1;
	s6 =	sadd.s32 s6, s3;
	s5 =	sadd.s32 s5, s3  }
0x8: {  	s7 =	ssub.s32 s4, s7;
	s3 =	sadd.s32 $0xE00, s6;
	s4 =	sadd.s32 $0x8E00, s5  }
0x9: {  	vm0 =	vcmask $0xF14;
	v1 =	vadd.s32 $0xF, v1;
	s5 =	smax.u32 s7, $0x1;
	s6 =	simm.s32 $0x1;
	s7 =	simm.s32 $0x2000  }
.LBB2_1:
0xa: {  	[tilespmem:s2], [sflag:$0x1] =	stream.linear.gather [hbm4b:s3+s2], $0x2000, $0x38;
	[tilespmem:$0x2080] =	vst v63  }
0xb: {  	_ =	swait.ge [sflag:s6], $0x2000  }
0xc: {  	s9 =	sand.u32 $0x1000, s2;
	s10 =	sand.u32 $0x380, s2;
	[sflag:s6] =	ssyncset.done $0x0  }
0xd: {  	s9 =	sor.u32 s10, s9;
	[sflag:s6] =	ssyncadd.s32 $0xFFFFE000  }
0xe: {  	v2 =	vld [tilespmem:s9+$0x0]  }
0xf: {  	v3 =	vld [tilespmem:s9+$0x10];
	_ =	sdelay $0x1  }
0x10: {  	v4 =	vld [tilespmem:s9+$0x20];
	_ =	sdelay $0x1  }
0x11: {  	v5 =	vld [tilespmem:s9+$0x30]  }
0x12: {  	v6 =	vmax.f32 v2, $+Inf;
	v7 =	vmax.f32 v2, v3  }
0x13: {  	v8 =	vld [tilespmem:s9+$0x40];
	v2 =	vmin.f32 v2, v3;
	v3 =	vmax.f32 v6, v7  }
0x14: {  	v7 =	vmin.f32 v6, v7;
	v9 =	vmin.f32 v2, v4;
	v2 =	vmax.f32 v2, v4  }
0x15: {  	v3 =	vmin.f32 v6, v3;
	v4 =	vmax.f32 v7, v2;
	v2 =	vmin.f32 v7, v2  }
0x16: {  	v6 =	vld [tilespmem:s9+$0x50];
	v7 =	vmin.f32 v9, v5;
	v5 =	vmax.f32 v9, v5;
	v9 =	vmin.f32 v3, v4  }
0x17: {  	v4 =	vmax.f32 v3, v4;
	v10 =	vmin.f32 v2, v5;
	v2 =	vmax.f32 v2, v5  }
0x18: {  	v5 =	vmax.f32 v7, v8;
	v3 =	vmin.f32 v3, v4;
	v4 =	vmin.f32 v7, v8;
	v7 =	vld [tilespmem:s9+$0x60]  }
0x19: {  	v8 =	vmin.f32 v9, v2;
	v2 =	vmax.f32 v9, v2;
	v9 =	vmax.f32 v10, v5  }
0x1a: {  	v5 =	vmin.f32 v10, v5;
	v11 =	vmax.f32 v8, v9  }
0x1b: {  	v12 =	vld [tilespmem:s9+$0x70];
	v8 =	vmin.f32 v8, v9;
	v10 =	vmin.f32 v4, v6;
	v4 =	vmax.f32 v4, v6  }
0x1c: {  	v6 =	vmin.f32 v3, v2;
	v2 =	vmax.f32 v3, v2;
	v9 =	vmin.f32 v5, v4  }
0x1d: {  	v4 =	vmax.f32 v5, v4;
	v2 =	vmin.f32 v3, v2;
	v3 =	vmin.f32 v10, v7  }
0x1e: {  	v5 =	vmax.f32 v10, v7;
	v7 =	vmin.f32 v6, v11;
	v6 =	vmax.f32 v6, v11  }
0x1f: {  	v10 =	vmax.f32 v8, v4;
	v4 =	vmin.f32 v8, v4;
	v8 =	vmin.f32 v9, v5  }
0x20: {  	v5 =	vmax.f32 v9, v5;
	v2 =	vmin.f32 v2, v6;
	v6 =	vmin.f32 v3, v12  }
0x21: {  	v11 =	vld [tilespmem:s9+$0x400];
	v3 =	vmax.f32 v3, v12;
	v9 =	vmin.f32 v7, v10;
	v7 =	vmax.f32 v7, v10  }
0x22: {  	v10 =	vmax.f32 v4, v5;
	v4 =	vmin.f32 v4, v5;
	v5 =	vmin.f32 v8, v3  }
0x23: {  	v12 =	vld [tilespmem:s9+$0x410];
	v3 =	vmax.f32 v8, v3;
	v2 =	vmin.f32 v2, v7;
	v8 =	vmin.f32 v9, v10  }
0x24: {  	v9 =	vmax.f32 v9, v10;
	v10 =	vmin.f32 v4, v3;
	v3 =	vmax.f32 v4, v3  }
0x25: {  	v2 =	vmin.f32 v2, v9;
	v9 =	vmin.f32 v8, v3  }
0x26: {  	v3 =	vmax.f32 v8, v3;
	v7 =	vmin.f32 v6, v11;
	v6 =	vmax.f32 v6, v11;
	v11 =	vld [tilespmem:s9+$0x420]  }
0x27: {  	v2 =	vmin.f32 v2, v3;
	v4 =	vmax.f32 v5, v6  }
0x28: {  	v5 =	vmin.f32 v5, v6;
	v6 =	vmin.f32 v7, v12;
	v7 =	vmax.f32 v7, v12  }
0x29: {  	v12 =	vld [tilespmem:s9+$0x430];
	v8 =	vmax.f32 v10, v4;
	v4 =	vmin.f32 v10, v4;
	v10 =	vmin.f32 v5, v7  }
0x2a: {  	v5 =	vmax.f32 v5, v7;
	v7 =	vmin.f32 v9, v8;
	v8 =	vmax.f32 v9, v8  }
0x2b: {  	v9 =	vmax.f32 v4, v5;
	v3 =	vmin.f32 v6, v11;
	v6 =	vmax.f32 v6, v11;
	v11 =	vld [tilespmem:s9+$0x440]  }
0x2c: {  	v4 =	vmin.f32 v4, v5;
	v8 =	vmin.f32 v2, v8;
	v2 =	vmin.f32 v7, v9  }
0x2d: {  	v7 =	vmax.f32 v7, v9;
	v5 =	vmin.f32 v10, v6;
	v6 =	vmax.f32 v10, v6;
	v10 =	vld [tilespmem:s9+$0x450]  }
0x2e: {  	v7 =	vmin.f32 v8, v7;
	v13 =	vmin.f32 v3, v12;
	v12 =	vmax.f32 v3, v12  }
0x2f: {  	v9 =	vld [tilespmem:s9+$0x460];
	v3 =	vmax.f32 v4, v6;
	v4 =	vmin.f32 v4, v6;
	v6 =	vmin.f32 v5, v12  }
0x30: {  	v5 =	vmax.f32 v5, v12;
	v12 =	vld [tilespmem:s9+$0x470];
	v15 =	vmin.f32 v13, v11;
	v11 =	vmax.f32 v13, v11  }
0x31: {  	v14 =	vmin.f32 v4, v5;
	v4 =	vmax.f32 v4, v5;
	v16 =	vmin.f32 v6, v11  }
0x32: {  	v13 =	vld [tilespmem:s9+$0x800];
	v6 =	vmax.f32 v6, v11;
	v11 =	vmax.f32 v15, v10;
	v10 =	vmin.f32 v15, v10  }
0x33: {  	v17 =	vld [tilespmem:s9+$0x810];
	v18 =	vmin.f32 v14, v6;
	v15 =	vmax.f32 v16, v11;
	v11 =	vmin.f32 v16, v11  }
0x34: {  	v50 =	vmin.f32 v10, v9;
	v9 =	vmax.f32 v10, v9;
	v6 =	vmax.f32 v14, v6  }
0x35: {  	v19 =	vld [tilespmem:s9+$0x820];
	v20 =	vmin.f32 v11, v9;
	v21 =	vmax.f32 v50, v12;
	v12 =	vmin.f32 v50, v12  }
0x36: {  	v10 =	vld [tilespmem:s9+$0x830];
	v29 =	vmin.f32 v18, v15;
	v9 =	vmax.f32 v11, v9;
	v15 =	vmax.f32 v18, v15  }
0x37: {  	v51 =	vld [tilespmem:s9+$0x840];
	v22 =	vmin.f32 v20, v21;
	v23 =	vmin.f32 v12, v13;
	v12 =	vmax.f32 v12, v13  }
0x38: {  	v13 =	vld [tilespmem:s9+$0x850];
	v24 =	vmin.f32 v22, v12;
	v25 =	vmin.f32 v23, v17;
	v17 =	vmax.f32 v23, v17  }
0x39: {  	v52 =	vld [tilespmem:s9+$0x860];
	v20 =	vmax.f32 v20, v21;
	v12 =	vmax.f32 v22, v12;
	v26 =	vmin.f32 v24, v17  }
0x3a: {  	v53 =	vld [tilespmem:s9+$0x870];
	v27 =	vmin.f32 v25, v19;
	v19 =	vmax.f32 v25, v19;
	v17 =	vmax.f32 v24, v17  }
0x3b: {  	v32 =	vld [tilespmem:s9+$0xC00];
	v25 =	vmin.f32 v26, v19;
	v28 =	vmin.f32 v27, v10;
	v10 =	vmax.f32 v27, v10  }
0x3c: {  	v55 =	vld [tilespmem:s9+$0xC10];
	v30 =	vmin.f32 v25, v10;
	v31 =	vmax.f32 v28, v51;
	v11 =	vmin.f32 v28, v51  }
0x3d: {  	v34 =	vld [tilespmem:s9+$0xC20];
	v54 =	vmin.f32 v30, v31;
	v33 =	vmin.f32 v11, v13;
	v11 =	vmax.f32 v11, v13  }
0x3e: {  	v56 =	vld [tilespmem:s9+$0xC30];
	v35 =	vmin.f32 v54, v11;
	v36 =	vmax.f32 v33, v52;
	v23 =	vmin.f32 v33, v52  }
0x3f: {  	v57 =	vld [tilespmem:s9+$0xC40];
	v37 =	vmin.f32 v35, v36;
	v38 =	vmin.f32 v23, v53;
	v23 =	vmax.f32 v23, v53  }
0x40: {  	v58 =	vld [tilespmem:s9+$0xC50];
	v39 =	vmin.f32 v37, v23;
	v40 =	vmin.f32 v38, v32;
	v32 =	vmax.f32 v38, v32  }
0x41: {  	v59 =	vld [tilespmem:s9+$0xC60];
	v41 =	vmin.f32 v39, v32;
	v42 =	vmin.f32 v40, v55;
	v28 =	vmax.f32 v40, v55  }
0x42: {  	v60 =	vld [tilespmem:s9+$0xC70];
	v43 =	vmin.f32 v41, v28;
	v44 =	vmin.f32 v42, v34;
	v34 =	vmax.f32 v42, v34  }
0x43: {  	v45 =	vmin.f32 v43, v34;
	v46 =	vmin.f32 v44, v56;
	v33 =	vmax.f32 v44, v56  }
0x44: {  	v44 =	vmin.f32 v45, v33;
	v47 =	vmin.f32 v46, v57;
	v27 =	vmax.f32 v46, v57  }
0x45: {  	v46 =	vmin.f32 v44, v27;
	v48 =	vmin.f32 v47, v58;
	v38 =	vmax.f32 v47, v58  }
0x46: {  	v47 =	vmin.f32 v46, v38;
	v49 =	vmin.f32 v48, v59;
	v40 =	vmax.f32 v48, v59  }
0x47: {  	v13 =	vmin.f32 v29, v9;
	v61 =	vmin.f32 v47, v40;
	v62 =	vmax.f32 v49, v60  }
0x48: {  	v19 =	vmax.f32 v26, v19;
	v50 =	vmin.f32 v13, v20;
	v63 =	vmin.f32 v61, v62  }
0x49: {  	v10 =	vmax.f32 v25, v10;
	v51 =	vmin.f32 v50, v12;
	(xrf1) =	vsort.ascd.msk.f32 $0xffff, v63, v63  }
0x4a: {  	v25 =	vmin.f32 v2, v3;
	v22 =	vmin.f32 v51, v17;
	v49 =	vmin.f32 v49, v60  }
0x4b: {  	v2 =	vmax.f32 v2, v3;
	v26 =	vmin.f32 v22, v19;
	(xrf1) =	vsort.ascd.msk.f32 $0xffff, v49, v49  }
0x4c: {  	v24 =	vmax.f32 v30, v31;
	v9 =	vmax.f32 v29, v9;
	v8 =	vmin.f32 v26, v10  }
0x4d: {  	v2 =	vmin.f32 v7, v2;
	v11 =	vmax.f32 v54, v11;
	v30 =	vmin.f32 v8, v24  }
0x4e: {  	v13 =	vmax.f32 v13, v20;
	v52 =	vmax.f32 v35, v36;
	v5 =	vmin.f32 v30, v11  }
0x4f: {  	v53 =	vmin.f32 v25, v4;
	v23 =	vmax.f32 v37, v23;
	v35 =	vmin.f32 v5, v52  }
0x50: {  	v12 =	vmax.f32 v50, v12;
	v32 =	vmax.f32 v39, v32;
	v14 =	vmin.f32 v35, v23  }
0x51: {  	v4 =	vmax.f32 v25, v4;
	v28 =	vmax.f32 v41, v28;
	v54 =	vmin.f32 v14, v32  }
0x52: {  	v36 =	vmin.f32 v53, v6;
	v34 =	vmax.f32 v43, v34;
	v55 =	vmin.f32 v54, v28  }
0x53: {  	v17 =	vmax.f32 v51, v17;
	v33 =	vmax.f32 v45, v33;
	v56 =	vmin.f32 v55, v34  }
0x54: {  	v2 =	vmin.f32 v2, v4;
	v27 =	vmax.f32 v44, v27;
	v57 =	vmin.f32 v56, v33  }
0x55: {  	v6 =	vmax.f32 v53, v6;
	v38 =	vmax.f32 v46, v38;
	v58 =	vmin.f32 v57, v27  }
0x56: {  	v39 =	vmin.f32 v36, v15;
	v40 =	vmax.f32 v47, v40;
	v20 =	vmin.f32 v58, v38  }
0x57: {  	v42 =	vmin.f32 v39, v9;
	v21 =	vmax.f32 v61, v62;
	v45 =	vmin.f32 v20, v40;
	v59, _, _ =	vpop (xrf1)  }
0x58: {  	v44 =	vmin.f32 v42, v13;
	v60 =	vmin.f32 v45, v21;
	v46 =	vperm.xlane v59, v1  }
0x59: {  	v19 =	vmax.f32 v22, v19;
	v61 =	vmin.f32 v44, v12;
	(xrf1) =	vsort.ascd.msk.f32 $0xffff, v60, v60;
	v62, _, _ =	vpop (xrf1)  }
0x5a: {  	v2 =	vmin.f32 v2, v6;
	v63 =	vmin.f32 v61, v17;
	v49 =	vmin.f32 v62, v46  }
0x5b: {  	v10 =	vmax.f32 v26, v10;
	v50 =	vmin.f32 v63, v19;
	(xrf1) =	vsort.ascd.msk.f32 $0xffff, v49, v49  }
0x5c: {  	v15 =	vmax.f32 v36, v15;
	v8 =	vmax.f32 v8, v24;
	v3 =	vmin.f32 v50, v10  }
0x5d: {  	v2 =	vmin.f32 v2, v15;
	v11 =	vmax.f32 v30, v11;
	v7 =	vmin.f32 v3, v8  }
0x5e: {  	v9 =	vmax.f32 v39, v9;
	v5 =	vmax.f32 v5, v52;
	v51 =	vmin.f32 v7, v11  }
0x5f: {  	v2 =	vmin.f32 v2, v9;
	v52 =	vmax.f32 v35, v23;
	v4 =	vmin.f32 v51, v5  }
0x60: {  	v13 =	vmax.f32 v42, v13;
	v14 =	vmax.f32 v14, v32;
	v23 =	vmin.f32 v4, v52  }
0x61: {  	v2 =	vmin.f32 v2, v13;
	v53 =	vmax.f32 v54, v28;
	v6 =	vmin.f32 v23, v14  }
0x62: {  	v12 =	vmax.f32 v44, v12;
	v18 =	vmax.f32 v55, v34;
	v54 =	vmin.f32 v6, v53  }
0x63: {  	v2 =	vmin.f32 v2, v12;
	v55 =	vmax.f32 v56, v33;
	v15 =	vmin.f32 v54, v18  }
0x64: {  	v12 =	vmax.f32 v61, v17;
	v27 =	vmax.f32 v57, v27;
	v56 =	vmin.f32 v15, v55  }
0x65: {  	v2 =	vmin.f32 v2, v12;
	v57 =	vmax.f32 v58, v38;
	v9 =	vmin.f32 v56, v27  }
0x66: {  	v12 =	vmax.f32 v63, v19;
	v20 =	vmax.f32 v20, v40;
	v58 =	vmin.f32 v9, v57  }
0x67: {  	v2 =	vmin.f32 v2, v12;
	v21 =	vmax.f32 v45, v21;
	v13 =	vmin.f32 v58, v20;
	v59, _, _ =	vpop (xrf1)  }
0x68: {  	v10 =	vmax.f32 v50, v10;
	v60 =	vmin.f32 v13, v21;
	v31 =	vperm.xlane v59, v1  }
0x69: {  	v2 =	vmin.f32 v2, v10;
	v3 =	vmax.f32 v3, v8;
	(xrf1) =	vsort.ascd.msk.f32 $0xffff, v60, v60;
	v61, _, _ =	vpop (xrf1)  }
0x6a: {  	v2 =	vmin.f32 v2, v3;
	v3 =	vmax.f32 v7, v11;
	v17 =	vmin.f32 v61, v31  }
0x6b: {  	v2 =	vmin.f32 v2, v3;
	v3 =	vmax.f32 v51, v5;
	(xrf1) =	vsort.ascd.msk.f32 $0xffff, v17, v17  }
0x6c: {  	s11 =	simm.s32 $0x200;
	s10 =	simm.s32 $0x80;
	v2 =	vmin.f32 v2, v3;
	v3 =	vmax.f32 v4, v52  }
0x6d: {  	s31 =	sand.u32 $0x1000, s11;
	s12 =	sand.u32 $0x380, s10;
	v2 =	vmin.f32 v2, v3;
	v3 =	vmax.f32 v23, v14  }
0x6e: {  	s12 =	sor.u32 s12, s31;
	v2 =	vmin.f32 v2, v3;
	v3 =	vmax.f32 v6, v53  }
0x6f: {  	v63 =	vld [tilespmem:s12+$0x10];
	v2 =	vmin.f32 v2, v3;
	v3 =	vmax.f32 v54, v18  }
0x70: {  	v2 =	vmin.f32 v2, v3;
	v3 =	vmax.f32 v15, v55;
	v62 =	vld [tilespmem:s12+$0x0]  }
0x71: {  	v7 =	vmov s2;
	v2 =	vmin.f32 v2, v3;
	v3 =	vmax.f32 v56, v27  }
0x72: {  	vm1 =	veq.s32 v7, v0;
	v7 =	vld [tilespmem:s12+$0x20];
	v2 =	vmin.f32 v2, v3;
	v3 =	vmax.f32 v9, v57  }
0x73: {  	v2 =	vmin.f32 v2, v3;
	v3 =	vmax.f32 v58, v20  }
0x74: {  	v11 =	vld [tilespmem:s12+$0x30];
	v2 =	vmin.f32 v2, v3;
	v3 =	vmax.f32 v13, v21  }
0x75: {  	v2 =	vmin.f32 v2, v3;
	v5 =	vmax.f32 v62, $+Inf;
	v8 =	vmax.f32 v62, v63  }
0x76: {  	v4 =	vmin.f32 v62, v63;
	v6 =	vmax.f32 v5, v8;
	v8 =	vmin.f32 v5, v8  }
0x77: {  	v10 =	vmin.f32 v4, v7;
	v4 =	vmax.f32 v4, v7;
	v7 =	vld [tilespmem:s12+$0x40];
	v5 =	vmin.f32 v5, v6;
	v9, _, _ =	vpop (xrf1)  }
0x78: {  	v6 =	vmax.f32 v8, v4;
	v4 =	vmin.f32 v8, v4;
	v3 =	vperm.xlane v9, v1  }
0x79: {  	v8 =	vmin.f32 v10, v11;
	v12 =	vmin.f32 v5, v6;
	v9 =	vmax.f32 v10, v11;
	v10 =	vld [tilespmem:s12+$0x50];
	v11, _, _ =	vpop (xrf1)  }
0x7a: {  	v6 =	vmax.f32 v5, v6;
	(xrf1) =	vsort.ascd.msk.f32 $0xffff, v2, v2;
	v3 =	vmin.f32 v11, v3  }
0x7b: {  	v11 =	vmin.f32 v4, v9;
	v4 =	vmax.f32 v4, v9;
	(xrf1) =	vsort.ascd.msk.f32 $0xffff, v3, v3  }
0x7c: {  	v3 =	vmin.f32 v5, v6;
	v5 =	vmin.f32 v8, v7;
	v6 =	vmax.f32 v8, v7;
	v7 =	vld [tilespmem:s12+$0x60]  }
0x7d: {  	v8 =	vmin.f32 v12, v4;
	v4 =	vmax.f32 v12, v4;
	v9 =	vmax.f32 v11, v6  }
0x7e: {  	v6 =	vmin.f32 v11, v6;
	v11 =	vmin.f32 v5, v10;
	v5 =	vmax.f32 v5, v10  }
0x7f: {  	v10 =	vmin.f32 v3, v4;
	v4 =	vmax.f32 v3, v4;
	v12 =	vmax.f32 v8, v9  }
0x80: {  	v13 =	vld [tilespmem:s12+$0x70];
	v8 =	vmin.f32 v8, v9;
	v9 =	vmin.f32 v6, v5;
	v5 =	vmax.f32 v6, v5  }
0x81: {  	v3 =	vmin.f32 v3, v4;
	v14 =	vmin.f32 v10, v12;
	v6 =	vmin.f32 v11, v7  }
0x82: {  	v4 =	vmax.f32 v11, v7;
	v7 =	vmax.f32 v10, v12;
	v10 =	vmax.f32 v8, v5  }
0x83: {  	v8 =	vmin.f32 v8, v5;
	v5 =	vmin.f32 v9, v4;
	v11 =	vmax.f32 v9, v4;
	v4 =	vld [tilespmem:s12+$0x400]  }
0x84: {  	v2 =	vimm.f32 $+Inf  }
0x85: {  	v9 =	vmin.f32 v3, v7;
	v7 =	vmin.f32 v6, v13;
	v12 =	vmax.f32 v6, v13  }
0x86: {  	s13 =	simm.s32 $0x2;
	s9 =	simm.s32 $0x1;
	v6 =	vmin.f32 v14, v10;
	v13 =	vmax.f32 v14, v10;
	v3 =	vld [tilespmem:s12+$0x410];
	v10 =	vmax.f32 v8, v11  }
.LBB2_2:
0x87: {  	p0 =	sne.s32 s13, $0xF;
	v8 =	vmin.f32 v8, v11;
	v11 =	vmin.f32 v5, v12;
	v5 =	vmax.f32 v5, v12  }
0x88: {  	v9 =	vmin.f32 v9, v13;
	v12 =	vmin.f32 v7, v4;
	v4 =	vmax.f32 v7, v4;
	v7, _, _ =	vpop (xrf1)  }
0x89: {  	v13 =	vmin.f32 v6, v10;
	v6 =	vmax.f32 v6, v10;
	v7 =	vperm.xlane v7, v1  }
0x8a: {  	v10 =	vmin.f32 v8, v5;
	v5 =	vmax.f32 v8, v5;
	v8 =	vmax.f32 v11, v4;
	v14 =	vld [tilespmem:s12+$0x420];
	v15, _, _ =	vpop (xrf1)  }
0x8b: {  	v4 =	vmin.f32 v11, v4;
	v11 =	vmin.f32 v12, v3;
	v7 =	vmin.f32 v15, v7  }
0x8c: {  	v6 =	vmin.f32 v9, v6;
	v3 =	vmax.f32 v12, v3;
	(xrf1) =	vsort.ascd.msk.f32 $0xffff, v7, v7  }
0x8d: {  	v9 =	vmax.f32 v10, v8;
	v7 =	vmin.f32 v13, v5;
	v5 =	vmax.f32 v13, v5;
	v12 =	vld [tilespmem:s12+$0x430]  }
0x8e: {  	v8 =	vmin.f32 v10, v8;
	v10 =	vmin.f32 v4, v3;
	v3 =	vmax.f32 v4, v3  }
0x8f: {  	v4 =	vmin.f32 v6, v5;
	v5 =	vmin.f32 v11, v14;
	v6 =	vmax.f32 v11, v14  }
0x90: {  	v11 =	vmin.f32 v7, v9;
	v7 =	vmax.f32 v7, v9;
	v9 =	vmax.f32 v8, v3;
	v14 =	vld [tilespmem:s12+$0x440]  }
0x91: {  	v8 =	vmin.f32 v8, v3;
	v15 =	vmin.f32 v10, v6;
	v6 =	vmax.f32 v10, v6;
	v10 =	vld [tilespmem:s12+$0x450]  }
0x92: {  	v7 =	vmin.f32 v4, v7;
	v16 =	vmin.f32 v5, v12;
	v5 =	vmax.f32 v5, v12  }
0x93: {  	v3 =	vmin.f32 v11, v9;
	v13 =	vmax.f32 v11, v9;
	v4 =	vmax.f32 v8, v6;
	v17 =	vld [tilespmem:s12+$0x460]  }
0x94: {  	v8 =	vmin.f32 v8, v6;
	v6 =	vmin.f32 v15, v5;
	v11 =	vmax.f32 v15, v5;
	v15 =	vld [tilespmem:s12+$0x470]  }
0x95: {  	v5 =	vmin.f32 v8, v11;
	v9 =	vmin.f32 v16, v14;
	v12 =	vmax.f32 v16, v14  }
0x96: {  	v14 =	vmin.f32 v6, v12;
	v12 =	vmax.f32 v6, v12;
	v16 =	vmax.f32 v9, v10;
	v18 =	vld [tilespmem:s12+$0x800]  }
0x97: {  	v10 =	vmin.f32 v9, v10;
	v6 =	vmin.f32 v5, v12;
	v9 =	vmax.f32 v14, v16;
	v19 =	vld [tilespmem:s12+$0x810]  }
0x98: {  	v14 =	vmin.f32 v14, v16;
	v16 =	vmin.f32 v10, v17;
	v17 =	vmax.f32 v10, v17;
	v20 =	vld [tilespmem:s12+$0x820]  }
0x99: {  	v10 =	vmin.f32 v6, v9;
	v21 =	vmin.f32 v14, v17;
	v22 =	vmax.f32 v16, v15;
	v23 =	vld [tilespmem:s12+$0x830]  }
0x9a: {  	v14 =	vmax.f32 v14, v17;
	v15 =	vmin.f32 v16, v15;
	v16 =	vmin.f32 v21, v22;
	v17 =	vld [tilespmem:s12+$0x840];
	v24, _, _ =	vpop (xrf1)  }
0x9b: {  	v25 =	vmin.f32 v15, v18;
	v15 =	vmax.f32 v15, v18;
	v18 =	vld [tilespmem:s12+$0x850];
	v24 =	vsel vm0, $0xFF800000, v24  }
0x9c: {  	v26 =	vmin.f32 v16, v15;
	v27 =	vmin.f32 v25, v19;
	v19 =	vmax.f32 v25, v19;
	v25 =	vld [tilespmem:s12+$0x860];
	(xrf0) =	vmax.scan.msk.f32 $0xffff, v24  }
0x9d: {  	v24 =	vmin.f32 v26, v19;
	v28 =	vmin.f32 v27, v20;
	v20 =	vmax.f32 v27, v20  }
0x9e: {  	v27 =	vmin.f32 v24, v20;
	v29 =	vmin.f32 v28, v23;
	v23 =	vmax.f32 v28, v23;
	v28 =	vld [tilespmem:s12+$0x870]  }
0x9f: {  	v30 =	vmin.f32 v27, v23;
	v31 =	vmin.f32 v29, v17;
	v17 =	vmax.f32 v29, v17;
	v29 =	vld [tilespmem:s12+$0xC00]  }
0xa0: {  	v32 =	vmin.f32 v30, v17;
	v33 =	vmin.f32 v31, v18;
	v18 =	vmax.f32 v31, v18;
	v31 =	vld [tilespmem:s12+$0xC10]  }
0xa1: {  	v34 =	vmin.f32 v10, v14;
	v35 =	vmin.f32 v32, v18;
	v36 =	vmax.f32 v33, v25;
	v37 =	vld [tilespmem:s12+$0xC20]  }
0xa2: {  	v21 =	vmax.f32 v21, v22;
	v22 =	vmin.f32 v33, v25;
	v25 =	vmin.f32 v35, v36;
	v33 =	vld [tilespmem:s12+$0xC30];
	v38, _, _ =	vpop (xrf0)  }
0xa3: {  	v39 =	vmin.f32 v22, v28;
	v22 =	vmax.f32 v22, v28;
	v28 =	vld [tilespmem:s12+$0xC40];
	v38 =	vperm.xlane v38, v1  }
0xa4: {  	v40 =	vmin.f32 v25, v22;
	v41 =	vmin.f32 v39, v29;
	v29 =	vmax.f32 v39, v29;
	v39 =	vld [tilespmem:s12+$0xC50]  }
0xa5: {  	v42 =	vmin.f32 v40, v29;
	v43 =	vmin.f32 v41, v31;
	v31 =	vmax.f32 v41, v31;
	v41 =	vld [tilespmem:s12+$0xC60];
	(xrf0) =	vmax.scan.msk.f32 $0xffff, v38  }
0xa6: {  	v38 =	vmin.f32 v42, v31;
	v44 =	vmin.f32 v43, v37;
	v37 =	vmax.f32 v43, v37;
	v43 =	vld [tilespmem:s12+$0xC70]  }
0xa7: {  	v45 =	vmin.f32 v38, v37;
	v46 =	vmin.f32 v44, v33;
	v33 =	vmax.f32 v44, v33  }
0xa8: {  	v44 =	vmin.f32 v45, v33;
	v47 =	vmin.f32 v46, v28;
	v28 =	vmax.f32 v46, v28  }
0xa9: {  	v46 =	vmin.f32 v44, v28;
	v48 =	vmin.f32 v47, v39;
	v39 =	vmax.f32 v47, v39  }
0xaa: {  	v47 =	vmin.f32 v46, v39;
	v49 =	vmin.f32 v48, v41;
	v41 =	vmax.f32 v48, v41  }
0xab: {  	v48 =	vmin.f32 v34, v21;
	v50 =	vmin.f32 v47, v41;
	v51 =	vmax.f32 v49, v43;
	v52, _, _ =	vpop (xrf0)  }
0xac: {  	v15 =	vmax.f32 v16, v15;
	v16 =	vmin.f32 v50, v51;
	v2 =	vsel vm1, v52, v2  }
0xad: {  	v19 =	vmax.f32 v26, v19;
	v52 =	vmin.f32 v48, v15;
	(xrf1) =	vsort.ascd.msk.f32 $0xffff, v16, v16  }
0xae: {  	v20 =	vmax.f32 v24, v20;
	v24 =	vmin.f32 v49, v43;
	v16 =	vmin.f32 v52, v19  }
0xaf: {  	v23 =	vmax.f32 v27, v23;
	v26 =	vmin.f32 v16, v20;
	(xrf1) =	vsort.ascd.msk.f32 $0xffff, v24, v24  }
0xb0: {  	v7 =	vmin.f32 v7, v13;
	v17 =	vmax.f32 v30, v17;
	v13 =	vmin.f32 v26, v23  }
0xb1: {  	v18 =	vmax.f32 v32, v18;
	v24 =	vmin.f32 v3, v4;
	v27 =	vmin.f32 v13, v17  }
0xb2: {  	v8 =	vmax.f32 v8, v11;
	v30 =	vmax.f32 v35, v36;
	v11 =	vmin.f32 v27, v18  }
0xb3: {  	v22 =	vmax.f32 v25, v22;
	v32 =	vmin.f32 v24, v8;
	v35 =	vmin.f32 v11, v30  }
0xb4: {  	v5 =	vmax.f32 v5, v12;
	v25 =	vmax.f32 v40, v29;
	v12 =	vmin.f32 v35, v22  }
0xb5: {  	v31 =	vmax.f32 v42, v31;
	v29 =	vmin.f32 v32, v5;
	v36 =	vmin.f32 v12, v25  }
0xb6: {  	v6 =	vmax.f32 v6, v9;
	v37 =	vmax.f32 v38, v37;
	v9 =	vmin.f32 v36, v31  }
0xb7: {  	v33 =	vmax.f32 v45, v33;
	v38 =	vmin.f32 v29, v6;
	v40 =	vmin.f32 v9, v37  }
0xb8: {  	v10 =	vmax.f32 v10, v14;
	v28 =	vmax.f32 v44, v28;
	v14 =	vmin.f32 v40, v33  }
0xb9: {  	v39 =	vmax.f32 v46, v39;
	v42 =	vmin.f32 v38, v10;
	v43 =	vmin.f32 v14, v28  }
0xba: {  	v21 =	vmax.f32 v34, v21;
	v41 =	vmax.f32 v47, v41;
	v34 =	vmin.f32 v43, v39  }
0xbb: {  	v46 =	vmax.f32 v50, v51;
	v44 =	vmin.f32 v42, v21;
	v45 =	vmin.f32 v34, v41;
	v47, _, _ =	vpop (xrf1)  }
0xbc: {  	v15 =	vmax.f32 v48, v15;
	v48 =	vmin.f32 v45, v46;
	v47 =	vperm.xlane v47, v1  }
0xbd: {  	v19 =	vmax.f32 v52, v19;
	v49 =	vmin.f32 v44, v15;
	v50, _, _ =	vpop (xrf1);
	(xrf1) =	vsort.ascd.msk.f32 $0xffff, v48, v48  }
0xbe: {  	v16 =	vmax.f32 v16, v20;
	v48 =	vmin.f32 v49, v19;
	v20 =	vmin.f32 v50, v47  }
0xbf: {  	v23 =	vmax.f32 v26, v23;
	v47 =	vmin.f32 v48, v16;
	(xrf1) =	vsort.ascd.msk.f32 $0xffff, v20, v20  }
0xc0: {  	v3 =	vmax.f32 v3, v4;
	v13 =	vmax.f32 v13, v17;
	v4 =	vmin.f32 v47, v23  }
0xc1: {  	v3 =	vmin.f32 v7, v3;
	v17 =	vmax.f32 v27, v18;
	v7 =	vmin.f32 v4, v13  }
0xc2: {  	v8 =	vmax.f32 v24, v8;
	v11 =	vmax.f32 v11, v30;
	v18 =	vmin.f32 v7, v17  }
0xc3: {  	v3 =	vmin.f32 v3, v8;
	v20 =	vmax.f32 v35, v22;
	v8 =	vmin.f32 v18, v11  }
0xc4: {  	v5 =	vmax.f32 v32, v5;
	v12 =	vmax.f32 v12, v25;
	v22 =	vmin.f32 v8, v20  }
0xc5: {  	v3 =	vmin.f32 v3, v5;
	v24 =	vmax.f32 v36, v31;
	v5 =	vmin.f32 v22, v12  }
0xc6: {  	v6 =	vmax.f32 v29, v6;
	v9 =	vmax.f32 v9, v37;
	v25 =	vmin.f32 v5, v24  }
0xc7: {  	v3 =	vmin.f32 v3, v6;
	v26 =	vmax.f32 v40, v33;
	v6 =	vmin.f32 v25, v9  }
0xc8: {  	v10 =	vmax.f32 v38, v10;
	v14 =	vmax.f32 v14, v28;
	v27 =	vmin.f32 v6, v26  }
0xc9: {  	v3 =	vmin.f32 v3, v10;
	v28 =	vmax.f32 v43, v39;
	v10 =	vmin.f32 v27, v14  }
0xca: {  	v21 =	vmax.f32 v42, v21;
	v30 =	vmax.f32 v34, v41;
	v29 =	vmin.f32 v10, v28  }
0xcb: {  	s10 =	sadd.s32 $0x80, s10;
	s11 =	sadd.s32 $0x200, s11;
	v3 =	vmin.f32 v3, v21;
	v31 =	vmax.f32 v45, v46;
	v21 =	vmin.f32 v29, v30;
	v32, _, _ =	vpop (xrf1)  }
0xcc: {  	s14 =	sand.u32 $0x380, s10;
	s12 =	sand.u32 $0x1000, s11;
	v15 =	vmax.f32 v44, v15;
	v33 =	vmin.f32 v21, v31;
	v32 =	vperm.xlane v32, v1  }
0xcd: {  	s12 =	sor.u32 s14, s12;
	v3 =	vmin.f32 v3, v15;
	v15 =	vmax.f32 v49, v19;
	v19, _, _ =	vpop (xrf1);
	(xrf1) =	vsort.ascd.msk.f32 $0xffff, v33, v33  }
0xce: {  	v3 =	vmin.f32 v3, v15;
	v15 =	vmax.f32 v48, v16;
	v33 =	vld [tilespmem:s12+$0x0];
	v16 =	vmin.f32 v19, v32  }
0xcf: {  	v3 =	vmin.f32 v3, v15;
	v15 =	vmax.f32 v47, v23;
	v19 =	vld [tilespmem:s12+$0x10];
	(xrf1) =	vsort.ascd.msk.f32 $0xffff, v16, v16  }
0xd0: {  	v3 =	vmin.f32 v3, v15;
	v4 =	vmax.f32 v4, v13  }
0xd1: {  	v3 =	vmin.f32 v3, v4;
	v4 =	vmax.f32 v7, v17;
	v7 =	vmov s9;
	s9 =	smov.u32 s13  }
0xd2: {  	v3 =	vmin.f32 v3, v4;
	v4 =	vmax.f32 v18, v11;
	vm1 =	veq.s32 v7, v0  }
0xd3: {  	v3 =	vmin.f32 v3, v4;
	v4 =	vmax.f32 v8, v20;
	v7 =	vmax.f32 v33, $+Inf;
	v11 =	vld [tilespmem:s12+$0x20]  }
0xd4: {  	v3 =	vmin.f32 v3, v4;
	v4 =	vmax.f32 v22, v12;
	v8 =	vmin.f32 v33, v19  }
0xd5: {  	v3 =	vmin.f32 v3, v4;
	v4 =	vmax.f32 v5, v24;
	v12 =	vmax.f32 v33, v19  }
0xd6: {  	v3 =	vmin.f32 v3, v4;
	v4 =	vmax.f32 v25, v9;
	v5 =	vmax.f32 v7, v12  }
0xd7: {  	v3 =	vmin.f32 v3, v4;
	v4 =	vmax.f32 v6, v26;
	v9 =	vmin.f32 v7, v12  }
0xd8: {  	v3 =	vmin.f32 v3, v4;
	v4 =	vmax.f32 v27, v14;
	v6 =	vmin.f32 v8, v11;
	v12 =	vld [tilespmem:s12+$0x30]  }
0xd9: {  	v3 =	vmin.f32 v3, v4;
	v4 =	vmax.f32 v10, v28;
	v8 =	vmax.f32 v8, v11  }
0xda: {  	v3 =	vmin.f32 v3, v4;
	v4 =	vmax.f32 v29, v30;
	v5 =	vmin.f32 v7, v5  }
0xdb: {  	v3 =	vmin.f32 v3, v4;
	v4 =	vmax.f32 v21, v31;
	v7 =	vmax.f32 v9, v8;
	v10 =	vld [tilespmem:s12+$0x40];
	v11, _, _ =	vpop (xrf1)  }
0xdc: {  	v3 =	vmin.f32 v3, v4;
	v8 =	vmin.f32 v9, v8;
	v4 =	vperm.xlane v11, v1  }
0xdd: {  	v9 =	vmin.f32 v6, v12;
	v6 =	vmax.f32 v6, v12;
	v11 =	vld [tilespmem:s12+$0x50];
	v12, _, _ =	vpop (xrf1);
	(xrf1) =	vsort.ascd.msk.f32 $0xffff, v3, v3  }
0xde: {  	v3 =	vmin.f32 v5, v7;
	v7 =	vmax.f32 v5, v7;
	v4 =	vmin.f32 v12, v4  }
0xdf: {  	v12 =	vmin.f32 v8, v6;
	v6 =	vmax.f32 v8, v6;
	(xrf1) =	vsort.ascd.msk.f32 $0xffff, v4, v4  }
0xe0: {  	v4 =	vmin.f32 v5, v7;
	v5 =	vmin.f32 v9, v10;
	v7 =	vmax.f32 v9, v10;
	v8 =	vld [tilespmem:s12+$0x60]  }
0xe1: {  	v9 =	vmin.f32 v3, v6;
	v3 =	vmax.f32 v3, v6;
	v6 =	vmax.f32 v12, v7  }
0xe2: {  	v7 =	vmin.f32 v12, v7;
	v10 =	vmin.f32 v5, v11;
	v5 =	vmax.f32 v5, v11  }
0xe3: {  	v11 =	vmin.f32 v4, v3;
	v3 =	vmax.f32 v4, v3;
	v12 =	vmax.f32 v9, v6;
	v13 =	vld [tilespmem:s12+$0x70]  }
0xe4: {  	v6 =	vmin.f32 v9, v6;
	v9 =	vmin.f32 v7, v5;
	v5 =	vmax.f32 v7, v5  }
.Ltmp0:
0xe5: {  	v3 =	vmin.f32 v4, v3;
	v14 =	vmin.f32 v10, v8;
	v7 =	vmax.f32 v10, v8;
	(pc) =	sbr.rel @p0 .LBB2_2-.Ltmp0, $4  }
0xe6: {  	v15 =	vmax.f32 v6, v5;
	v10 =	vmin.f32 v11, v12;
	v12 =	vmax.f32 v11, v12;
	v4 =	vld [tilespmem:s12+$0x400]  }
0xe7: {  	v8 =	vmin.f32 v6, v5;
	v5 =	vmin.f32 v9, v7;
	v11 =	vmax.f32 v9, v7  }
0xe8: {  	v9 =	vmin.f32 v3, v12;
	v7 =	vmin.f32 v14, v13;
	v12 =	vmax.f32 v14, v13  }
0xe9: {  	s13 =	sadd.s32 $0x1, s13;
	v6 =	vmin.f32 v10, v15;
	v13 =	vmax.f32 v10, v15;
	v10 =	vmax.f32 v8, v11;
	v3 =	vld [tilespmem:s12+$0x410]  }
0xea: {  	v8 =	vmin.f32 v8, v11;
	v21 =	vmin.f32 v5, v12;
	v22 =	vmax.f32 v5, v12  }
0xeb: {  	v9 =	vmin.f32 v9, v13;
	v26 =	vmin.f32 v6, v10;
	v27 =	vmax.f32 v6, v10  }
0xec: {  	v23 =	vmin.f32 v7, v4;
	v24 =	vmax.f32 v7, v4;
	v25, _, _ =	vpop (xrf1);
	v28 =	vmin.f32 v8, v22  }
0xed: {  	v14 =	vld [tilespmem:s12+$0x420];
	v5 =	vmax.f32 v8, v22;
	v6 =	vmin.f32 v9, v27;
	v7 =	vperm.xlane v25, v1  }
0xee: {  	v29 =	vmax.f32 v21, v24;
	v4 =	vmin.f32 v21, v24;
	v31 =	vmin.f32 v26, v5  }
0xef: {  	v5 =	vmax.f32 v26, v5;
	v15, _, _ =	vpop (xrf1);
	v32 =	vmax.f32 v28, v29;
	v8 =	vmin.f32 v28, v29  }
0xf0: {  	v33 =	vld [tilespmem:s12+$0x430];
	v35 =	vmin.f32 v6, v5;
	v30 =	vmin.f32 v23, v3;
	v7 =	vmin.f32 v15, v7  }
0xf1: {  	v3 =	vmax.f32 v23, v3;
	v38 =	vmin.f32 v31, v32;
	(xrf1) =	vsort.ascd.msk.f32 $0xffff, v7, v7  }
0xf2: {  	v34 =	vmin.f32 v4, v3;
	v3 =	vmax.f32 v4, v3;
	v36 =	vmin.f32 v30, v14  }
0xf3: {  	v40 =	vld [tilespmem:s12+$0x440];
	v37 =	vmax.f32 v30, v14;
	v7 =	vmax.f32 v31, v32;
	v39 =	vmax.f32 v8, v3  }
0xf4: {  	v41 =	vld [tilespmem:s12+$0x450];
	v8 =	vmin.f32 v8, v3;
	v14 =	vmin.f32 v34, v37;
	v6 =	vmax.f32 v34, v37  }
0xf5: {  	v7 =	vmin.f32 v35, v7;
	v42 =	vmin.f32 v36, v33;
	v5 =	vmax.f32 v36, v33  }
0xf6: {  	v43 =	vld [tilespmem:s12+$0x460];
	v3 =	vmin.f32 v38, v39;
	v9 =	vmax.f32 v38, v39;
	v4 =	vmax.f32 v8, v6  }
0xf7: {  	v45 =	vld [tilespmem:s12+$0x470];
	v6 =	vmin.f32 v8, v6;
	v44 =	vmin.f32 v14, v5;
	v5 =	vmax.f32 v14, v5  }
0xf8: {  	v16 =	vmin.f32 v42, v40;
	v13 =	vmax.f32 v42, v40;
	v14 =	vmin.f32 v6, v5  }
0xf9: {  	v46 =	vld [tilespmem:s12+$0x800];
	v17 =	vmin.f32 v44, v13;
	v8 =	vmax.f32 v44, v13;
	v47 =	vmax.f32 v16, v41  }
0xfa: {  	v18 =	vld [tilespmem:s12+$0x810];
	v10 =	vmin.f32 v16, v41;
	v19 =	vmin.f32 v14, v8;
	v16 =	vmax.f32 v17, v47  }
0xfb: {  	v20 =	vld [tilespmem:s12+$0x820];
	v13 =	vmin.f32 v17, v47;
	v48 =	vmin.f32 v10, v43;
	v10 =	vmax.f32 v10, v43  }
0xfc: {  	v49 =	vld [tilespmem:s12+$0x830];
	v21 =	vmin.f32 v13, v10;
	v22 =	vmax.f32 v48, v45;
	v12 =	vmin.f32 v48, v45  }
0xfd: {  	v50 =	vld [tilespmem:s12+$0x840];
	v30 =	vmin.f32 v19, v16;
	v10 =	vmax.f32 v13, v10;
	v23 =	vmin.f32 v21, v22  }
0xfe: {  	v51 =	vld [tilespmem:s12+$0x850];
	v24 =	vmin.f32 v12, v46;
	v12 =	vmax.f32 v12, v46;
	v15 =	vmin.f32 v30, v10  }
0xff: {  	v52 =	vld [tilespmem:s12+$0x860];
	v25 =	vmin.f32 v23, v12;
	v26 =	vmin.f32 v24, v18;
	v18 =	vmax.f32 v24, v18  }
0x100: {  	v53 =	vld [tilespmem:s12+$0x870];
	v27 =	vmin.f32 v25, v18;
	v28 =	vmin.f32 v26, v20;
	v20 =	vmax.f32 v26, v20  }
0x101: {  	v33 =	vld [tilespmem:s12+$0xC00];
	v26 =	vmin.f32 v27, v20;
	v29 =	vmin.f32 v28, v49;
	v11 =	vmax.f32 v28, v49  }
0x102: {  	v55 =	vld [tilespmem:s12+$0xC10];
	v31 =	vmin.f32 v26, v11;
	v32 =	vmax.f32 v29, v50;
	v54 =	vmin.f32 v29, v50  }
0x103: {  	v35 =	vld [tilespmem:s12+$0xC20];
	v17 =	vmin.f32 v31, v32;
	v34 =	vmin.f32 v54, v51;
	v13 =	vmax.f32 v54, v51  }
0x104: {  	v56 =	vld [tilespmem:s12+$0xC30];
	v36 =	vmin.f32 v17, v13;
	v37 =	vmax.f32 v34, v52;
	v24 =	vmin.f32 v34, v52  }
0x105: {  	v57 =	vld [tilespmem:s12+$0xC40];
	v38 =	vmin.f32 v36, v37;
	v39 =	vmin.f32 v24, v53;
	v24 =	vmax.f32 v24, v53  }
0x106: {  	v58 =	vld [tilespmem:s12+$0xC50];
	v40 =	vmin.f32 v38, v24;
	v41 =	vmin.f32 v39, v33;
	v33 =	vmax.f32 v39, v33  }
0x107: {  	v59 =	vld [tilespmem:s12+$0xC60];
	v42 =	vmin.f32 v40, v33;
	v43 =	vmin.f32 v41, v55;
	v29 =	vmax.f32 v41, v55  }
0x108: {  	v60 =	vld [tilespmem:s12+$0xC70];
	v44 =	vmin.f32 v42, v29;
	v45 =	vmin.f32 v43, v35;
	v35 =	vmax.f32 v43, v35  }
0x109: {  	v46 =	vmin.f32 v44, v35;
	v47 =	vmin.f32 v45, v56;
	v34 =	vmax.f32 v45, v56  }
0x10a: {  	v45 =	vmin.f32 v46, v34;
	v48 =	vmin.f32 v47, v57;
	v28 =	vmax.f32 v47, v57  }
0x10b: {  	v47 =	vmin.f32 v45, v28;
	v49 =	vmin.f32 v48, v58;
	v39 =	vmax.f32 v48, v58  }
0x10c: {  	v48 =	vmin.f32 v47, v39;
	v50 =	vmin.f32 v49, v59;
	v41 =	vmax.f32 v49, v59  }
0x10d: {  	v21 =	vmax.f32 v21, v22;
	v22 =	vmin.f32 v48, v41;
	v61 =	vmax.f32 v50, v60  }
0x10e: {  	v12 =	vmax.f32 v23, v12;
	v51 =	vmin.f32 v15, v21;
	v62 =	vmin.f32 v22, v61  }
0x10f: {  	v18 =	vmax.f32 v25, v18;
	v52 =	vmin.f32 v51, v12;
	(xrf1) =	vsort.ascd.msk.f32 $0xffff, v62, v62  }
0x110: {  	v20 =	vmax.f32 v27, v20;
	v63 =	vmin.f32 v52, v18;
	v53 =	vmin.f32 v50, v60  }
0x111: {  	v11 =	vmax.f32 v26, v11;
	v27 =	vmin.f32 v63, v20;
	(xrf1) =	vsort.ascd.msk.f32 $0xffff, v53, v53  }
0x112: {  	v7 =	vmin.f32 v7, v9;
	v54 =	vmax.f32 v31, v32;
	v9 =	vmin.f32 v27, v11  }
0x113: {  	v5 =	vmax.f32 v6, v5;
	v13 =	vmax.f32 v17, v13;
	v31 =	vmin.f32 v9, v54  }
0x114: {  	v8 =	vmax.f32 v14, v8;
	v56 =	vmin.f32 v31, v13;
	v57 =	vmax.f32 v36, v37  }
0x115: {  	v16 =	vmax.f32 v19, v16;
	v24 =	vmax.f32 v38, v24;
	v36 =	vmin.f32 v56, v57  }
0x116: {  	v10 =	vmax.f32 v30, v10;
	v33 =	vmax.f32 v40, v33;
	v59 =	vmin.f32 v36, v24  }
0x117: {  	v15 =	vmax.f32 v15, v21;
	v29 =	vmax.f32 v42, v29;
	v60 =	vmin.f32 v59, v33  }
0x118: {  	v12 =	vmax.f32 v51, v12;
	v35 =	vmax.f32 v44, v35;
	v19 =	vmin.f32 v60, v29  }
0x119: {  	v55 =	vmin.f32 v3, v4;
	v34 =	vmax.f32 v46, v34;
	v42 =	vmin.f32 v19, v35  }
0x11a: {  	v58 =	vmin.f32 v55, v5;
	v28 =	vmax.f32 v45, v28;
	v30 =	vmin.f32 v42, v34  }
0x11b: {  	v37 =	vmin.f32 v58, v8;
	v39 =	vmax.f32 v47, v39;
	v44 =	vmin.f32 v30, v28  }
0x11c: {  	v40 =	vmin.f32 v37, v16;
	v45, _, _ =	vpop (xrf1);
	v41 =	vmax.f32 v48, v41;
	v21 =	vmin.f32 v44, v39  }
0x11d: {  	v43 =	vmin.f32 v40, v10;
	v22 =	vmax.f32 v22, v61;
	v47 =	vmin.f32 v21, v41;
	v61, _, _ =	vpop (xrf1)  }
0x11e: {  	v46 =	vmin.f32 v43, v15;
	v49 =	vmin.f32 v47, v22;
	v48 =	vperm.xlane v61, v1  }
0x11f: {  	v18 =	vmax.f32 v52, v18;
	v50 =	vmin.f32 v46, v12;
	(xrf1) =	vsort.ascd.msk.f32 $0xffff, v49, v49;
	v62, _, _ =	vpop (xrf1)  }
0x120: {  	v20 =	vmax.f32 v63, v20;
	v49 =	vmin.f32 v50, v18;
	v63 =	vmin.f32 v62, v48  }
0x121: {  	v11 =	vmax.f32 v27, v11;
	v52 =	vmin.f32 v49, v20;
	(xrf1) =	vsort.ascd.msk.f32 $0xffff, v63, v63  }
0x122: {  	v3 =	vmax.f32 v3, v4;
	v9 =	vmax.f32 v9, v54;
	v53 =	vmin.f32 v52, v11  }
0x123: {  	v3 =	vmin.f32 v7, v3;
	v13 =	vmax.f32 v31, v13;
	v54 =	vmin.f32 v53, v9  }
0x124: {  	v5 =	vmax.f32 v55, v5;
	v6 =	vmax.f32 v56, v57;
	v55 =	vmin.f32 v54, v13  }
0x125: {  	v3 =	vmin.f32 v3, v5;
	v57 =	vmax.f32 v36, v24;
	v56 =	vmin.f32 v55, v6  }
0x126: {  	v8 =	vmax.f32 v58, v8;
	v14 =	vmax.f32 v59, v33;
	v24 =	vmin.f32 v56, v57  }
0x127: {  	v3 =	vmin.f32 v3, v8;
	v59 =	vmax.f32 v60, v29;
	v58 =	vmin.f32 v24, v14  }
0x128: {  	v16 =	vmax.f32 v37, v16;
	v19 =	vmax.f32 v19, v35;
	v60 =	vmin.f32 v58, v59  }
0x129: {  	v3 =	vmin.f32 v3, v16;
	v61 =	vmin.f32 v60, v19;
	v62 =	vmax.f32 v42, v34  }
0x12a: {  	v10 =	vmax.f32 v40, v10;
	v28 =	vmax.f32 v30, v28;
	v63 =	vmin.f32 v61, v62  }
0x12b: {  	v3 =	vmin.f32 v3, v10;
	v37 =	vmax.f32 v44, v39;
	v36 =	vmin.f32 v63, v28  }
0x12c: {  	v15 =	vmax.f32 v43, v15;
	v21 =	vmax.f32 v21, v41;
	v38 =	vmin.f32 v36, v37  }
0x12d: {  	v3 =	vmin.f32 v3, v15;
	v22 =	vmax.f32 v47, v22;
	v40, _, _ =	vpop (xrf1);
	v39 =	vmin.f32 v38, v21  }
0x12e: {  	v12 =	vmax.f32 v46, v12;
	v32 =	vperm.xlane v40, v1;
	v41 =	vmin.f32 v39, v22  }
0x12f: {  	v3 =	vmin.f32 v3, v12;
	v42 =	vmax.f32 v50, v18;
	(xrf1) =	vsort.ascd.msk.f32 $0xffff, v41, v41;
	v43, _, _ =	vpop (xrf1)  }
0x130: {  	v44 =	vmax.f32 v49, v20;
	v3 =	vmin.f32 v3, v42;
	v18 =	vmin.f32 v43, v32  }
0x131: {  	v11 =	vmax.f32 v52, v11;
	v3 =	vmin.f32 v3, v44;
	(xrf1) =	vsort.ascd.msk.f32 $0xffff, v18, v18  }
0x132: {  	v4 =	vmax.f32 v53, v9;
	v3 =	vmin.f32 v3, v11  }
0x133: {  	v46 =	vmax.f32 v54, v13;
	v3 =	vmin.f32 v3, v4  }
0x134: {  	v47 =	vmax.f32 v55, v6;
	v3 =	vmin.f32 v3, v46  }
0x135: {  	v48 =	vmax.f32 v56, v57;
	v3 =	vmin.f32 v3, v47  }
0x136: {  	v49 =	vmax.f32 v24, v14;
	v3 =	vmin.f32 v3, v48  }
0x137: {  	v50 =	vmax.f32 v58, v59;
	v3 =	vmin.f32 v3, v49  }
0x138: {  	v51 =	vmax.f32 v60, v19;
	v3 =	vmin.f32 v3, v50  }
0x139: {  	v52 =	vmax.f32 v61, v62;
	v3 =	vmin.f32 v3, v51  }
0x13a: {  	v53 =	vmax.f32 v63, v28;
	v3 =	vmin.f32 v3, v52  }
0x13b: {  	v54 =	vmax.f32 v36, v37;
	v3 =	vmin.f32 v3, v53  }
0x13c: {  	v55 =	vmax.f32 v38, v21;
	v3 =	vmin.f32 v3, v54  }
0x13d: {  	v56 =	vmax.f32 v39, v22;
	v3 =	vmin.f32 v3, v55;
	v57, _, _ =	vpop (xrf1)  }
0x13e: {  	v3 =	vmin.f32 v3, v56;
	v58 =	vperm.xlane v57, v1  }
0x13f: {  	(xrf1) =	vsort.ascd.msk.f32 $0xffff, v3, v3;
	v59, _, _ =	vpop (xrf1)  }
0x140: {  	v3 =	vmin.f32 v59, v58  }
0x141: {  	(xrf1) =	vsort.ascd.msk.f32 $0xffff, v3, v3;
	_ =	sdelay $0xb  }
0x142: {  	v3, _, _ =	vpop (xrf1)  }
0x143: {  	v3 =	vperm.xlane v3, v1  }
0x144: {  	v60, _, _ =	vpop (xrf1)  }
0x145: {  	v3 =	vmin.f32 v60, v3  }
0x146: {  	(xrf1) =	vsort.ascd.msk.f32 $0xffff, v3, v3;
	_ =	sdelay $0x4  }
0x147: {  	v3 =	vsel vm0, $0xFF800000, v45  }
0x148: {  	(xrf0) =	vmax.scan.msk.f32 $0xffff, v3;
	_ =	sdelay $0x5  }
0x149: {  	v3, _, _ =	vpop (xrf0)  }
0x14a: {  	v3 =	vperm.xlane v3, v1  }
0x14b: {  	v61, _, _ =	vpop (xrf1)  }
0x14c: {  	(xrf0) =	vmax.scan.msk.f32 $0xffff, v3;
	v3 =	vsel vm0, $0xFF800000, v61  }
0x14d: {  	(xrf0) =	vmax.scan.msk.f32 $0xffff, v3;
	_ =	sdelay $0x4  }
0x14e: {  	v3, _, _ =	vpop (xrf0)  }
0x14f: {  	v62, _, _ =	vpop (xrf0)  }
0x150: {  	v4 =	vperm.xlane v62, v1;
	_ =	sdelay $0x1  }
0x151: {  	(xrf0) =	vmax.scan.msk.f32 $0xffff, v4;
	_ =	sdelay $0x4  }
0x152: {  	v63 =	vmov s9  }
0x153: {  	s8 =	sadd.s32 $0x1, s8;
	v2 =	vsel vm1, v3, v2;
	vm1 =	veq.s32 v63, v0;
	v3, _, _ =	vpop (xrf0)  }
0x154: {  	p0 =	sne.s32 s8, s5;
	v2 =	vsel vm1, v3, v2  }
.Ltmp1:
0x155: {  	[tilespmem:$0x2000] =	vst v2;
	(pc) =	sbr.rel @p0 .LBB2_1-.Ltmp1, $4  }
0x156: {  	[hbm4b:s4+s2] =	stream.linear.scatter [tilespmem:s7], [sflag:$0x1], $0x80, $0x38;
	[tilespmem:$0x2080] =	vst v63  }
0x157: {  	_ =	swait.ge [sflag:s6], $0x80  }
0x158: {  	[sflag:s6] =	ssyncset.done $0x0  }
0x159: {  	[sflag:s6] =	ssyncadd.s32 $0xFFFFFF80  }
0x15a: {  	_ =	sfence.sel $0x180000  }
0x15b: {  	[bflag:$0x0] =	sbarrier.arrive $0xFFFF  }
0x15c: {  	p0 =	sne.s32 s1, $0x0;
	_ =	strace $0x90000047  }
0x15d: {  	s0 =	sadd.s32 @!p0 $0x100000, s0;
	[bflag:$0x2] =	sbarrier.arrive $0xFFFF  }
0x15e: {  	[sflag:s0] =	ssyncadd.tile.s32 @!p0 $0x1;
	_ =	shalt  }
.Lfunc_end2:
_tile_overlayer_lowered:
.L_overlay_start_2:
0x15f: {  	(tag) =	ssettag $0x2  }
0x160: {  	s0 =	rddreg [dreg:$0x0];
	s2 =	stileid.u32  }
0x161: {  	s1 =	rddreg [dreg:$0x1];
	p0 =	sne.s32 s2, $0x0  }
0x162: {  	s3 =	rddreg [dreg:$0x2];
	[bflag:$0x3] =	sbarrier.arrive $0xFFFF;
	s2 =	simm.s32 @!p0 $0x1C01  }
0x163: {  	[timem:s3], [sflag:s2] =	dma.local @!p0 [hbm:s0], s1  }
0x164: {  	s0 =	simm.s32 @!p0 $0x1  }
0x165: {  	_ =	swait.ge @!p0 [sflag:s0], s1  }
0x166: {  	s1 =	ssub.s32 @!p0 $0x0, s1;
	[sflag:s0] =	ssyncset.done @!p0 $0x0  }
0x167: {  	[sflag:s0] =	ssyncadd.s32 @!p0 s1  }
0x168: {  	[bflag:$0x3] =	sbarrier.arrive $0xFFFF  }
0x169: {  	_ =	shalt  }

</sc_bundles>
